<compile_context>
chip_gen: v7x
topology: tpu7x:2x2x1
jax: 0.10.2.dev20260603
libtpu: 0.0.44.dev20260713+nightly
codegen_flags: <defaults>
</compile_context>

<pallas_src>
import functools

import jax
import jax.numpy as jnp
from jax import lax
from jax.experimental import pallas as pl
from jax.experimental.pallas import tpu as pltpu
from jax.experimental.pallas import tpu_sc as plsc

_S = 14
_NB = 2
_NCLS = 20
_L_COORD = 5.0
_L_NOOBJ = 0.5
_N = 64
_C = _NB * 5 + _NCLS
_CELLS = _N * _S * _S
_NW = 32
_CPW = _CELLS // _NW
_WORDS = _CPW * _C
_NBATCH = (_CPW + 15) // 16
_SF = float(_S)


def _sqrt16(x):
    i = plsc.bitcast(x, jnp.int32)
    y = plsc.bitcast((i >> 1) + 0x1FBD1DF5, jnp.float32)
    for _ in range(3):
        y = 0.5 * (y + x / y)
    return y


def _make_kernel():
    mesh = plsc.VectorSubcoreMesh(core_axis_name="c", subcore_axis_name="s")

    @functools.partial(
        pl.kernel,
        mesh=mesh,
        out_type=jax.ShapeDtypeStruct((32, 16), jnp.float32),
        compiler_params=pltpu.CompilerParams(needs_layout_passes=False),
        scratch_types=[
            pltpu.VMEM((_WORDS,), jnp.float32),
            pltpu.VMEM((_WORDS,), jnp.float32),
            pltpu.VMEM((16,), jnp.float32),
            pltpu.VMEM((16,), jnp.int32),
            pltpu.SemaphoreType.DMA,
            pltpu.SemaphoreType.DMA,
        ],
    )
    def yolo_loss(pred_hbm, targ_hbm, out_hbm, pv, tv, row, obj_ids, sem_p, sem_t):
        cid = lax.axis_index("c")
        sid = lax.axis_index("s")
        wid = cid * 16 + sid
        off = wid * _WORDS
        cp_t = pltpu.async_copy(targ_hbm.at[pl.ds(off, _WORDS)], tv, sem_t)
        cp_p = pltpu.async_copy(pred_hbm.at[pl.ds(off, _WORDS)], pv, sem_p)

        iota = lax.iota(jnp.int32, 16)
        zero = jnp.zeros((16,), jnp.float32)
        one = jnp.full((16,), 1.0, jnp.float32)
        izero = jnp.zeros((16,), jnp.int32)
        ione = jnp.full((16,), 1, jnp.int32)

        obj_ids[...] = izero
        cp_t.wait()
        cp_p.wait()

        def scan_batch(j, carry):
            cnt, a_cn = carry
            ll = j * 16 + iota
            valid = ll < _CPW
            lc = jnp.minimum(ll, _CPW - 1)
            base = lc * _C
            conf = plsc.load_gather(tv, [base + 4])
            p4 = plsc.load_gather(pv, [base + 4])
            p9 = plsc.load_gather(pv, [base + 9])
            m_obj = (conf == 1.0) & valid
            n = jnp.where((conf == 0.0) & valid, one, zero)
            a_cn = a_cn + n * (p4 * p4 + p9 * p9)
            mi = jnp.where(m_obj, ione, izero)
            pos = cnt + lax.cumsum(mi, axis=0) - 1
            plsc.store_scatter(obj_ids, [pos], lc, mask=m_obj)
            cnt = cnt + jnp.sum(mi)
            return (cnt, a_cn)

        cnt, a_cn = scan_batch(0, (jnp.int32(0), zero))
        cnt, a_cn = lax.fori_loop(1, _NBATCH, scan_batch, (cnt, a_cn))

        mask = iota < cnt
        lc = obj_ids[...]
        g = wid * _CPW + lc
        q = lax.rem(g, _S * _S)
        ci = lax.rem(q, _S)
        cf = ci.astype(jnp.float32)
        rf = (q - ci).astype(jnp.float32) / _SF
        base = lc * _C

        def gt(ch):
            return plsc.load_gather(tv, [base + ch])

        def gp(ch):
            return plsc.load_gather(pv, [base + ch])

        t0, t1, t2, t3 = gt(0), gt(1), gt(2), gt(3)

        txs = t0 / _SF
        tys = t1 / _SF
        cs = cf / _SF
        rs = rf / _SF
        t1x = txs - 0.5 * t2 + cs
        t2x = txs + 0.5 * t2 + cs
        t1y = tys - 0.5 * t3 + rs
        t2y = tys + 0.5 * t3 + rs
        area_t = (t2x - t1x) * (t2y - t1y)

        p = [gp(ch) for ch in range(10)]
        ious = []
        for b in range(_NB):
            bx, by, bw, bh = p[5 * b], p[5 * b + 1], p[5 * b + 2], p[5 * b + 3]
            bxs = bx / _SF
            bys = by / _SF
            b1x = bxs - 0.5 * bw + cs
            b2x = bxs + 0.5 * bw + cs
            b1y = bys - 0.5 * bh + rs
            b2y = bys + 0.5 * bh + rs
            ltx = jnp.maximum(t1x, b1x)
            lty = jnp.maximum(t1y, b1y)
            rbx = jnp.minimum(t2x, b2x)
            rby = jnp.minimum(t2y, b2y)
            wx = jnp.maximum(rbx - ltx, 0.0)
            wy = jnp.maximum(rby - lty, 0.0)
            inter = wx * wy
            area_b = (b2x - b1x) * (b2y - b1y)
            ious.append(inter / (area_t + area_b - inter))
        iou0, iou1 = ious
        best1 = iou1 > iou0
        kx = jnp.where(best1, p[5], p[0])
        ky = jnp.where(best1, p[6], p[1])
        kw = jnp.where(best1, p[7], p[2])
        kh = jnp.where(best1, p[8], p[3])
        kc = jnp.where(best1, p[9], p[4])
        oc = jnp.where(best1, p[4], p[9])
        biou = jnp.where(best1, iou1, iou0)

        o = jnp.where(mask, one, zero)
        dx = t0 - kx
        dy = t1 - ky
        a_xy = o * (dx * dx + dy * dy)
        dw = _sqrt16(t2) - _sqrt16(kw)
        dh = _sqrt16(t3) - _sqrt16(kh)
        a_wh = o * (dw * dw + dh * dh)
        dc = biou - kc
        a_co = o * (dc * dc)
        a_cn = a_cn + o * (oc * oc)
        cl = zero
        for ch in range(10, _C):
            d = gt(ch) - gp(ch)
            cl = cl + d * d
        a_cl = o * cl

        s_xy = jnp.sum(a_xy) * (_L_COORD / _N)
        s_wh = jnp.sum(a_wh) * (_L_COORD / _N)
        s_co = jnp.sum(a_co) * (1.0 / _N)
        s_cn = jnp.sum(a_cn) * (_L_NOOBJ / _N)
        s_cl = jnp.sum(a_cl) * (1.0 / _N)
        s_tot = s_xy + s_wh + s_co + s_cn + s_cl

        def oh(i):
            return jnp.where(iota == i, one, zero)

        row[...] = (s_tot * oh(0) + s_xy * oh(1) + s_wh * oh(2)
                    + s_co * oh(3) + s_cn * oh(4) + s_cl * oh(5))
        pltpu.sync_copy(row, out_hbm.at[wid])

    return yolo_loss


_yolo_loss_sc = _make_kernel()


@jax.jit
def kernel(pred_tensor, target_tensor):
    out = _yolo_loss_sc(pred_tensor.reshape(-1), target_tensor.reshape(-1))
    return jnp.sum(out, axis=0)[:6]

# --- scband reference (transcript-rebuilt; emitter-appended) ---
"""Pipeline reference for scband-loss-yolov1-36103495090636 (READ-ONLY COPY).

The authoritative reference and input builder live on the scoring server;
editing this copy changes nothing except your own understanding.
"""

import jax, jax.numpy as jnp
import numpy as np

S = 14
B = 2
NCLS = 20
L_COORD = 5.0
L_NOOBJ = 0.5


def setup_inputs(seed: int = 0) -> dict:
    key = jax.random.key(seed)
    k1, k2, k3 = jax.random.split(key, 3)
    N = 64
    C = B * 5 + NCLS
    pred = jax.random.uniform(k1, (N, S, S, C), minval=0.05, maxval=0.95, dtype=jnp.float32)
    base = jax.random.uniform(k2, (N, S, S, C), minval=0.05, maxval=0.95, dtype=jnp.float32)
    # ~5 object cells per image: confidence channel is exactly 1 there, exactly 0 elsewhere
    cell = jax.random.randint(k3, (N, 5), 0, S * S)
    conf = jnp.zeros((N, S * S), jnp.float32).at[jnp.arange(N)[:, None], cell].set(1.0).reshape(N, S, S)
    target = base.at[..., 4].set(conf)
    return {"pred_tensor": pred, "target_tensor": target}


def _compute_iou(box1, box2):
    lt = jnp.maximum(box1[:, None, :2], box2[None, :, :2])
    rb = jnp.minimum(box1[:, None, 2:4], box2[None, :, 2:4])
    wh = jnp.clip(rb - lt, 0.0, None)
    inter = wh[..., 0] * wh[..., 1]
    area1 = ((box1[:, 2] - box1[:, 0]) * (box1[:, 3] - box1[:, 1]))[:, None]
    area2 = ((box2[:, 2] - box2[:, 0]) * (box2[:, 3] - box2[:, 1]))[None, :]
    return inter / (area1 + area2 - inter)


def _loss(pred, target, obj_idx, noobj_idx, obj_mask, noobj_mask):
    N = pred.shape[0]
    bi, ri, ci = obj_idx
    targ_obj = target[bi, ri, ci]
    pred_obj = pred[bi, ri, ci]
    pred_noobj = pred[noobj_idx[0], noobj_idx[1], noobj_idx[2]]
    n_obj = targ_obj.shape[0]
    targ_boxes = targ_obj[:, :5]
    pred_boxes = pred_obj[:, :5 * B].reshape(-1, 5)
    # row = grid row index, col = grid col index; torch concatenates (col, row)
    calrow_targ = jnp.stack([ci.astype(jnp.float32), ri.astype(jnp.float32)], axis=1)
    calrow_pred = jnp.concatenate([calrow_targ, calrow_targ], axis=1).reshape(-1, 2)
    t1 = targ_boxes[:, :2] / S - 0.5 * targ_boxes[:, 2:4] + calrow_targ / S
    t2 = targ_boxes[:, :2] / S + 0.5 * targ_boxes[:, 2:4] + calrow_targ / S
    p1 = pred_boxes[:, :2] / S - 0.5 * pred_boxes[:, 2:4] + calrow_pred / S
    p2 = pred_boxes[:, :2] / S + 0.5 * pred_boxes[:, 2:4] + calrow_pred / S
    iou = _compute_iou(jnp.concatenate([t1, t2], axis=1), jnp.concatenate([p1, p2], axis=1))
    idx = jnp.arange(n_obj)
    # per-object block of B candidate boxes: iou_res[i][i*B:(i+1)*B]
    iou_blocks = iou.reshape(n_obj, n_obj, B)[idx, idx]
    best = jnp.argmax(iou_blocks, axis=1)
    pred_boxes_r = pred_boxes.reshape(n_obj, B, 5)
    pred_keep = pred_boxes_r[idx, best]
    best_iou = iou_blocks[idx, best]
    arangeB = jnp.arange(B)
    order = jnp.argsort(jnp.where(arangeB[None, :] == best[:, None], B, arangeB[None, :]), axis=1)[:, :B - 1]
    obj_m = obj_mask.astype(pred.dtype)
    noobj_m = noobj_mask.astype(pred.dtype)
    conf_noobj2 = (obj_m[:, None] * jnp.take_along_axis(pred_boxes_r[:, :, 4], order, axis=1)).reshape(-1)
    conf_cols = jnp.array([b * 5 + 4 for b in range(B)])
    conf_noobj1 = (noobj_m[:, None] * pred_noobj[:, conf_cols]).reshape(-1)
    conf_noobj = jnp.concatenate([conf_noobj1, conf_noobj2])
    loss_xy = jnp.sum(obj_m[:, None] * (targ_boxes[:, :2] - pred_keep[:, :2]) ** 2) * L_COORD / N
    loss_wh = jnp.sum(obj_m[:, None] * (jnp.sqrt(targ_boxes[:, 2:4]) - jnp.sqrt(pred_keep[:, 2:4])) ** 2) * L_COORD / N
    loss_cobj = jnp.sum(obj_m * (best_iou - pred_keep[:, 4]) ** 2) / N
    loss_cnoobj = jnp.sum(conf_noobj ** 2) * L_NOOBJ / N
    loss_cls = jnp.sum(obj_m[:, None] * (targ_obj[:, 5 * B:] - pred_obj[:, 5 * B:]) ** 2) / N
    total = loss_xy + loss_wh + loss_cobj + loss_cnoobj + loss_cls
    return jnp.stack([total, loss_xy, loss_wh, loss_cobj, loss_cnoobj, loss_cls])


def reference(pred_tensor, target_tensor):
    conf = target_tensor[..., 4]
    N, SR, SC = conf.shape
    n_obj_max = 5 * N
    n_cells = N * SR * SC
    n_obj = jnp.count_nonzero(conf == 1.0)
    obj_idx = jnp.nonzero(conf == 1.0, size=n_obj_max, fill_value=0)
    noobj_idx = jnp.nonzero(conf == 0.0, size=n_cells, fill_value=0)
    obj_mask = jnp.arange(n_obj_max) < n_obj
    noobj_mask = jnp.arange(n_cells) < (n_cells - n_obj)
    return _loss(pred_tensor, target_tensor, obj_idx, noobj_idx, obj_mask, noobj_mask)

if __name__ == "__main__":
    import jax
    _d = setup_inputs()
    print(jax.jit(kernel)(*tuple(_d.values())))

</pallas_src>

<mosaic_0001>
#map = affine_map<(d0, d1) -> (0)>
#map1 = affine_map<(d0, d1) -> (0, 0)>
module attributes {stable_mosaic.version = 14 : i64} {
  func.func @yolo_loss(%arg0: i32, %arg1: i32, %arg2: memref<376320xf32, #tpu.memory_space<hbm>>, %arg3: memref<376320xf32, #tpu.memory_space<hbm>>, %arg4: memref<32x16xf32, #tpu.memory_space<hbm>>, %arg5: memref<11760xf32, #tpu.memory_space<vmem>>, %arg6: memref<11760xf32, #tpu.memory_space<vmem>>, %arg7: memref<16xf32, #tpu.memory_space<vmem>>, %arg8: memref<16xi32, #tpu.memory_space<vmem>>, %arg9: memref<!tpu.dma_semaphore, #tpu.memory_space<semaphore_mem>>, %arg10: memref<!tpu.dma_semaphore, #tpu.memory_space<semaphore_mem>>) attributes {dimension_semantics = [#tpu.dimension_semantics<core_parallel>, #tpu.dimension_semantics<subcore_parallel>], iteration_bounds = array<i64: 2, 16>, scalar_prefetch = 0 : i64, scratch_operands = 6 : i64, tpu.core_type = #tpu.core_type<sc_vector_subcore>, window_params = [{transform_indices = #map}, {transform_indices = #map}, {transform_indices = #map1}]} {
    %mul3A = arith.constant 16 : i32
    %mul3A_0 = arith.muli %arg0, %mul3A : i32
    %add3A = arith.addi %mul3A_0, %arg1 : i32
    %mul3A_1 = arith.constant 11760 : i32
    %mul3A_2 = arith.muli %add3A, %mul3A_1 : i32
    %dma_start3A = tpu.memref_slice %arg3[%mul3A_2] : memref<376320xf32, #tpu.memory_space<hbm>> -> memref<11760xf32, #tpu.memory_space<hbm>>
    %dma_start3A_3 = tpu.memref_slice %arg3[%mul3A_2] : memref<376320xf32, #tpu.memory_space<hbm>> -> memref<11760xf32, #tpu.memory_space<hbm>>
    tpu.enqueue_dma source(%dma_start3A_3 : memref<11760xf32, #tpu.memory_space<hbm>>) target(%arg6 : memref<11760xf32, #tpu.memory_space<vmem>>) target_semaphore(%arg10 : memref<!tpu.dma_semaphore, #tpu.memory_space<semaphore_mem>>)
    %dma_start3A_4 = tpu.memref_slice %arg2[%mul3A_2] : memref<376320xf32, #tpu.memory_space<hbm>> -> memref<11760xf32, #tpu.memory_space<hbm>>
    %dma_start3A_5 = tpu.memref_slice %arg2[%mul3A_2] : memref<376320xf32, #tpu.memory_space<hbm>> -> memref<11760xf32, #tpu.memory_space<hbm>>
    tpu.enqueue_dma source(%dma_start3A_5 : memref<11760xf32, #tpu.memory_space<hbm>>) target(%arg5 : memref<11760xf32, #tpu.memory_space<vmem>>) target_semaphore(%arg9 : memref<!tpu.dma_semaphore, #tpu.memory_space<semaphore_mem>>)
    %iota3A = tpu.iota {dimensions = array<i32: 0>} : vector<16xi32>
    %broadcast_in_dim3A = arith.constant 0.000000e+00 : f32
    %broadcast_in_dim3A_6 = vector.broadcast %broadcast_in_dim3A : f32 to vector<16xf32>
    %broadcast_in_dim3A_7 = arith.constant 1.000000e+00 : f32
    %broadcast_in_dim3A_8 = vector.broadcast %broadcast_in_dim3A_7 : f32 to vector<16xf32>
    %broadcast_in_dim3A_9 = arith.constant 0 : i32
    %broadcast_in_dim3A_10 = vector.broadcast %broadcast_in_dim3A_9 : i32 to vector<16xi32>
    %broadcast_in_dim3A_11 = arith.constant 1 : i32
    %broadcast_in_dim3A_12 = vector.broadcast %broadcast_in_dim3A_11 : i32 to vector<16xi32>
    %swap3A = arith.constant 0 : index
    %swap3A_13 = tpu.vector_load %arg8[%swap3A] {strides = array<i32>} : memref<16xi32, #tpu.memory_space<vmem>>, vector<16xi32>,
    tpu.vector_store %arg8[%swap3A], %broadcast_in_dim3A_10 {strides = array<i32>} : memref<16xi32, #tpu.memory_space<vmem>>, vector<16xi32>,
    %dma_wait3A = tpu.memref_slice %arg3[%mul3A_2] : memref<376320xf32, #tpu.memory_space<hbm>> -> memref<11760xf32, #tpu.memory_space<hbm>>
    %dma_wait3A_14 = tpu.memref_slice %arg3[%mul3A_2] : memref<376320xf32, #tpu.memory_space<hbm>> -> memref<11760xf32, #tpu.memory_space<hbm>>
    tpu.wait_dma2 semaphore(%arg10 : memref<!tpu.dma_semaphore, #tpu.memory_space<semaphore_mem>>) src(%dma_wait3A_14 : memref<11760xf32, #tpu.memory_space<hbm>>) dst(%arg6 : memref<11760xf32, #tpu.memory_space<vmem>>)
    %dma_wait3A_15 = tpu.memref_slice %arg2[%mul3A_2] : memref<376320xf32, #tpu.memory_space<hbm>> -> memref<11760xf32, #tpu.memory_space<hbm>>
    %dma_wait3A_16 = tpu.memref_slice %arg2[%mul3A_2] : memref<376320xf32, #tpu.memory_space<hbm>> -> memref<11760xf32, #tpu.memory_space<hbm>>
    tpu.wait_dma2 semaphore(%arg9 : memref<!tpu.dma_semaphore, #tpu.memory_space<semaphore_mem>>) src(%dma_wait3A_16 : memref<11760xf32, #tpu.memory_space<hbm>>) dst(%arg5 : memref<11760xf32, #tpu.memory_space<vmem>>)
    %add3A_17 = arith.constant 0 : i32
    %add3A_18 = vector.broadcast %add3A_17 : i32 to vector<16xi32>
    %add3A_19 = arith.addi %add3A_18, %iota3A : vector<16xi32>
    %lt3A = arith.constant 392 : i32
    %lt3A_20 = vector.broadcast %lt3A : i32 to vector<16xi32>
    %lt3A_21 = arith.cmpi slt, %add3A_19, %lt3A_20 : vector<16xi32>
    %min3A = arith.constant 391 : i32
    %min3A_22 = vector.broadcast %min3A : i32 to vector<16xi32>
    %min3A_23 = arith.minsi %add3A_19, %min3A_22 : vector<16xi32>
    %mul3A_24 = arith.constant 30 : i32
    %mul3A_25 = vector.broadcast %mul3A_24 : i32 to vector<16xi32>
    %mul3A_26 = arith.muli %min3A_23, %mul3A_25 : vector<16xi32>
    %add3A_27 = arith.constant 4 : i32
    %add3A_28 = vector.broadcast %add3A_27 : i32 to vector<16xi32>
    %add3A_29 = arith.addi %mul3A_26, %add3A_28 : vector<16xi32>
    %gather3A = tpu.vector_load_idx %arg6[%add3A_29] : memref<11760xf32, #tpu.memory_space<vmem>>[vector<16xi32>], vector<16xf32>,
    %add3A_30 = arith.constant 4 : i32
    %add3A_31 = vector.broadcast %add3A_30 : i32 to vector<16xi32>
    %add3A_32 = arith.addi %mul3A_26, %add3A_31 : vector<16xi32>
    %gather3A_33 = tpu.vector_load_idx %arg5[%add3A_32] : memref<11760xf32, #tpu.memory_space<vmem>>[vector<16xi32>], vector<16xf32>,
    %add3A_34 = arith.constant 9 : i32
    %add3A_35 = vector.broadcast %add3A_34 : i32 to vector<16xi32>
    %add3A_36 = arith.addi %mul3A_26, %add3A_35 : vector<16xi32>
    %gather3A_37 = tpu.vector_load_idx %arg5[%add3A_36] : memref<11760xf32, #tpu.memory_space<vmem>>[vector<16xi32>], vector<16xf32>,
    %eq3A = arith.constant 1.000000e+00 : f32
    %eq3A_38 = vector.broadcast %eq3A : f32 to vector<16xf32>
    %eq3A_39 = arith.cmpf oeq, %gather3A, %eq3A_38 : vector<16xf32>
    %and3A = arith.andi %eq3A_39, %lt3A_21 : vector<16xi1>
    %eq3A_40 = arith.constant 0.000000e+00 : f32
    %eq3A_41 = vector.broadcast %eq3A_40 : f32 to vector<16xf32>
    %eq3A_42 = arith.cmpf oeq, %gather3A, %eq3A_41 : vector<16xf32>
    %and3A_43 = arith.andi %eq3A_42, %lt3A_21 : vector<16xi1>
    %select_n3A = arith.select %and3A_43, %broadcast_in_dim3A_8, %broadcast_in_dim3A_6 : vector<16xi1>, vector<16xf32>
    %mul3A_44 = arith.mulf %gather3A_33, %gather3A_33 : vector<16xf32>
    %mul3A_45 = arith.mulf %gather3A_37, %gather3A_37 : vector<16xf32>
    %add3A_46 = arith.addf %mul3A_44, %mul3A_45 : vector<16xf32>
    %mul3A_47 = arith.mulf %select_n3A, %add3A_46 : vector<16xf32>
    %add3A_48 = arith.addf %broadcast_in_dim3A_6, %mul3A_47 : vector<16xf32>
    %select_n3A_49 = arith.select %and3A, %broadcast_in_dim3A_12, %broadcast_in_dim3A_10 : vector<16xi1>, vector<16xi32>
    %cumsum3A = arith.constant true
    %cumsum3A_50 = vector.broadcast %cumsum3A : i1 to vector<16xi1>
    %cumsum3A_51 = tpu.scan <sum>, %select_n3A_49 masked %cumsum3A_50 : vector<16xi32>, vector<16xi1> -> vector<16xi32>
    %add3A_52 = arith.constant 0 : i32
    %add3A_53 = vector.broadcast %add3A_52 : i32 to vector<16xi32>
    %add3A_54 = arith.addi %add3A_53, %cumsum3A_51 : vector<16xi32>
    %sub3A = arith.constant 1 : i32
    %sub3A_55 = vector.broadcast %sub3A : i32 to vector<16xi32>
    %sub3A_56 = arith.subi %add3A_54, %sub3A_55 : vector<16xi32>
    tpu.vector_store_idx %arg8[%sub3A_56], %min3A_23 masked %and3A : memref<16xi32, #tpu.memory_space<vmem>>[vector<16xi32>], vector<16xi32>, vector<16xi1>
    %reduce_sum3A = arith.constant true
    %reduce_sum3A_57 = vector.broadcast %reduce_sum3A : i1 to vector<16xi1>
    %reduce_sum3A_58 = tpu.scan <sum>, %select_n3A_49 masked %reduce_sum3A_57 : vector<16xi32>, vector<16xi1> -> vector<16xi32>
    %reduce_sum3A_59 = vector.extract %reduce_sum3A_58[15] : i32 from vector<16xi32>
    %add3A_60 = arith.constant 0 : i32
    %add3A_61 = arith.addi %add3A_60, %reduce_sum3A_59 : i32
    %scan3A = arith.constant 1 : i32
    %scan3A_62 = arith.constant 24 : i32
    %scan3A_63 = arith.addi %scan3A, %scan3A_62 : i32
    %scan3A_64 = arith.constant 1 : i32
    %scan3A_65:2 = scf.for %scan3A_680 = %scan3A to %scan3A_63 step %scan3A_64 iter_args(%scan3A_681 = %add3A_61, %scan3A_682 = %add3A_48) -> (i32, vector<16xf32>)  : i32 {
      %mul3A_683 = arith.constant 16 : i32
      %mul3A_684 = arith.muli %scan3A_680, %mul3A_683 : i32
      %add3A_685 = vector.broadcast %mul3A_684 : i32 to vector<16xi32>
      %add3A_686 = arith.addi %add3A_685, %iota3A : vector<16xi32>
      %lt3A_687 = arith.constant 392 : i32
      %lt3A_688 = vector.broadcast %lt3A_687 : i32 to vector<16xi32>
      %lt3A_689 = arith.cmpi slt, %add3A_686, %lt3A_688 : vector<16xi32>
      %min3A_690 = arith.constant 391 : i32
      %min3A_691 = vector.broadcast %min3A_690 : i32 to vector<16xi32>
      %min3A_692 = arith.minsi %add3A_686, %min3A_691 : vector<16xi32>
      %mul3A_693 = arith.constant 30 : i32
      %mul3A_694 = vector.broadcast %mul3A_693 : i32 to vector<16xi32>
      %mul3A_695 = arith.muli %min3A_692, %mul3A_694 : vector<16xi32>
      %add3A_696 = arith.constant 4 : i32
      %add3A_697 = vector.broadcast %add3A_696 : i32 to vector<16xi32>
      %add3A_698 = arith.addi %mul3A_695, %add3A_697 : vector<16xi32>
      %gather3A_699 = tpu.vector_load_idx %arg6[%add3A_698] : memref<11760xf32, #tpu.memory_space<vmem>>[vector<16xi32>], vector<16xf32>,
      %add3A_700 = arith.constant 4 : i32
      %add3A_701 = vector.broadcast %add3A_700 : i32 to vector<16xi32>
      %add3A_702 = arith.addi %mul3A_695, %add3A_701 : vector<16xi32>
      %gather3A_703 = tpu.vector_load_idx %arg5[%add3A_702] : memref<11760xf32, #tpu.memory_space<vmem>>[vector<16xi32>], vector<16xf32>,
      %add3A_704 = arith.constant 9 : i32
      %add3A_705 = vector.broadcast %add3A_704 : i32 to vector<16xi32>
      %add3A_706 = arith.addi %mul3A_695, %add3A_705 : vector<16xi32>
      %gather3A_707 = tpu.vector_load_idx %arg5[%add3A_706] : memref<11760xf32, #tpu.memory_space<vmem>>[vector<16xi32>], vector<16xf32>,
      %eq3A_708 = arith.constant 1.000000e+00 : f32
      %eq3A_709 = vector.broadcast %eq3A_708 : f32 to vector<16xf32>
      %eq3A_710 = arith.cmpf oeq, %gather3A_699, %eq3A_709 : vector<16xf32>
      %and3A_711 = arith.andi %eq3A_710, %lt3A_689 : vector<16xi1>
      %eq3A_712 = arith.constant 0.000000e+00 : f32
      %eq3A_713 = vector.broadcast %eq3A_712 : f32 to vector<16xf32>
      %eq3A_714 = arith.cmpf oeq, %gather3A_699, %eq3A_713 : vector<16xf32>
      %and3A_715 = arith.andi %eq3A_714, %lt3A_689 : vector<16xi1>
      %select_n3A_716 = arith.select %and3A_715, %broadcast_in_dim3A_8, %broadcast_in_dim3A_6 : vector<16xi1>, vector<16xf32>
      %mul3A_717 = arith.mulf %gather3A_703, %gather3A_703 : vector<16xf32>
      %mul3A_718 = arith.mulf %gather3A_707, %gather3A_707 : vector<16xf32>
      %add3A_719 = arith.addf %mul3A_717, %mul3A_718 : vector<16xf32>
      %mul3A_720 = arith.mulf %select_n3A_716, %add3A_719 : vector<16xf32>
      %add3A_721 = arith.addf %scan3A_682, %mul3A_720 : vector<16xf32>
      %select_n3A_722 = arith.select %and3A_711, %broadcast_in_dim3A_12, %broadcast_in_dim3A_10 : vector<16xi1>, vector<16xi32>
      %cumsum3A_723 = arith.constant true
      %cumsum3A_724 = vector.broadcast %cumsum3A_723 : i1 to vector<16xi1>
      %cumsum3A_725 = tpu.scan <sum>, %select_n3A_722 masked %cumsum3A_724 : vector<16xi32>, vector<16xi1> -> vector<16xi32>
      %add3A_726 = vector.broadcast %scan3A_681 : i32 to vector<16xi32>
      %add3A_727 = arith.addi %add3A_726, %cumsum3A_725 : vector<16xi32>
      %sub3A_728 = arith.constant 1 : i32
      %sub3A_729 = vector.broadcast %sub3A_728 : i32 to vector<16xi32>
      %sub3A_730 = arith.subi %add3A_727, %sub3A_729 : vector<16xi32>
      tpu.vector_store_idx %arg8[%sub3A_730], %min3A_692 masked %and3A_711 : memref<16xi32, #tpu.memory_space<vmem>>[vector<16xi32>], vector<16xi32>, vector<16xi1>
      %reduce_sum3A_731 = arith.constant true
      %reduce_sum3A_732 = vector.broadcast %reduce_sum3A_731 : i1 to vector<16xi1>
      %reduce_sum3A_733 = tpu.scan <sum>, %select_n3A_722 masked %reduce_sum3A_732 : vector<16xi32>, vector<16xi1> -> vector<16xi32>
      %reduce_sum3A_734 = vector.extract %reduce_sum3A_733[15] : i32 from vector<16xi32>
      %add3A_735 = arith.addi %scan3A_681, %reduce_sum3A_734 : i32
      scf.yield %add3A_735, %add3A_721 : i32, vector<16xf32>
    }
    %scan3A_66 = arith.constant 24 : i32
    %lt3A_67 = vector.broadcast %scan3A_65#0 : i32 to vector<16xi32>
    %lt3A_68 = arith.cmpi slt, %iota3A, %lt3A_67 : vector<16xi32>
    %get3A = arith.constant 0 : index
    %get3A_69 = tpu.vector_load %arg8[%get3A] {strides = array<i32>} : memref<16xi32, #tpu.memory_space<vmem>>, vector<16xi32>,
    %mul3A_70 = arith.constant 392 : i32
    %mul3A_71 = arith.muli %add3A, %mul3A_70 : i32
    %add3A_72 = vector.broadcast %mul3A_71 : i32 to vector<16xi32>
    %add3A_73 = arith.addi %add3A_72, %get3A_69 : vector<16xi32>
    %rem3A = arith.constant 196 : i32
    %rem3A_74 = vector.broadcast %rem3A : i32 to vector<16xi32>
    %rem3A_75 = arith.remsi %add3A_73, %rem3A_74 : vector<16xi32>
    %rem3A_76 = arith.constant 14 : i32
    %rem3A_77 = vector.broadcast %rem3A_76 : i32 to vector<16xi32>
    %rem3A_78 = arith.remsi %rem3A_75, %rem3A_77 : vector<16xi32>
    %convert_element_type3A = arith.sitofp %rem3A_78 : vector<16xi32> to vector<16xf32>
    %sub3A_79 = arith.subi %rem3A_75, %rem3A_78 : vector<16xi32>
    %convert_element_type3A_80 = arith.sitofp %sub3A_79 : vector<16xi32> to vector<16xf32>
    %div3A = arith.constant 1.400000e+01 : f32
    %div3A_81 = vector.broadcast %div3A : f32 to vector<16xf32>
    %div3A_82 = arith.divf %convert_element_type3A_80, %div3A_81 : vector<16xf32>
    %mul3A_83 = arith.constant 30 : i32
    %mul3A_84 = vector.broadcast %mul3A_83 : i32 to vector<16xi32>
    %mul3A_85 = arith.muli %get3A_69, %mul3A_84 : vector<16xi32>
    %add3A_86 = arith.constant 0 : i32
    %add3A_87 = vector.broadcast %add3A_86 : i32 to vector<16xi32>
    %add3A_88 = arith.addi %mul3A_85, %add3A_87 : vector<16xi32>
    %gather3A_89 = tpu.vector_load_idx %arg6[%add3A_88] : memref<11760xf32, #tpu.memory_space<vmem>>[vector<16xi32>], vector<16xf32>,
    %add3A_90 = arith.constant 1 : i32
    %add3A_91 = vector.broadcast %add3A_90 : i32 to vector<16xi32>
    %add3A_92 = arith.addi %mul3A_85, %add3A_91 : vector<16xi32>
    %gather3A_93 = tpu.vector_load_idx %arg6[%add3A_92] : memref<11760xf32, #tpu.memory_space<vmem>>[vector<16xi32>], vector<16xf32>,
    %add3A_94 = arith.constant 2 : i32
    %add3A_95 = vector.broadcast %add3A_94 : i32 to vector<16xi32>
    %add3A_96 = arith.addi %mul3A_85, %add3A_95 : vector<16xi32>
    %gather3A_97 = tpu.vector_load_idx %arg6[%add3A_96] : memref<11760xf32, #tpu.memory_space<vmem>>[vector<16xi32>], vector<16xf32>,
    %add3A_98 = arith.constant 3 : i32
    %add3A_99 = vector.broadcast %add3A_98 : i32 to vector<16xi32>
    %add3A_100 = arith.addi %mul3A_85, %add3A_99 : vector<16xi32>
    %gather3A_101 = tpu.vector_load_idx %arg6[%add3A_100] : memref<11760xf32, #tpu.memory_space<vmem>>[vector<16xi32>], vector<16xf32>,
    %div3A_102 = arith.constant 1.400000e+01 : f32
    %div3A_103 = vector.broadcast %div3A_102 : f32 to vector<16xf32>
    %div3A_104 = arith.divf %gather3A_89, %div3A_103 : vector<16xf32>
    %div3A_105 = arith.constant 1.400000e+01 : f32
    %div3A_106 = vector.broadcast %div3A_105 : f32 to vector<16xf32>
    %div3A_107 = arith.divf %gather3A_93, %div3A_106 : vector<16xf32>
    %div3A_108 = arith.constant 1.400000e+01 : f32
    %div3A_109 = vector.broadcast %div3A_108 : f32 to vector<16xf32>
    %div3A_110 = arith.divf %convert_element_type3A, %div3A_109 : vector<16xf32>
    %div3A_111 = arith.constant 1.400000e+01 : f32
    %div3A_112 = vector.broadcast %div3A_111 : f32 to vector<16xf32>
    %div3A_113 = arith.divf %div3A_82, %div3A_112 : vector<16xf32>
    %mul3A_114 = arith.constant 5.000000e-01 : f32
    %mul3A_115 = vector.broadcast %mul3A_114 : f32 to vector<16xf32>
    %mul3A_116 = arith.mulf %mul3A_115, %gather3A_97 : vector<16xf32>
    %sub3A_117 = arith.subf %div3A_104, %mul3A_116 : vector<16xf32>
    %add3A_118 = arith.addf %sub3A_117, %div3A_110 : vector<16xf32>
    %mul3A_119 = arith.constant 5.000000e-01 : f32
    %mul3A_120 = vector.broadcast %mul3A_119 : f32 to vector<16xf32>
    %mul3A_121 = arith.mulf %mul3A_120, %gather3A_97 : vector<16xf32>
    %add3A_122 = arith.addf %div3A_104, %mul3A_121 : vector<16xf32>
    %add3A_123 = arith.addf %add3A_122, %div3A_110 : vector<16xf32>
    %mul3A_124 = arith.constant 5.000000e-01 : f32
    %mul3A_125 = vector.broadcast %mul3A_124 : f32 to vector<16xf32>
    %mul3A_126 = arith.mulf %mul3A_125, %gather3A_101 : vector<16xf32>
    %sub3A_127 = arith.subf %div3A_107, %mul3A_126 : vector<16xf32>
    %add3A_128 = arith.addf %sub3A_127, %div3A_113 : vector<16xf32>
    %mul3A_129 = arith.constant 5.000000e-01 : f32
    %mul3A_130 = vector.broadcast %mul3A_129 : f32 to vector<16xf32>
    %mul3A_131 = arith.mulf %mul3A_130, %gather3A_101 : vector<16xf32>
    %add3A_132 = arith.addf %div3A_107, %mul3A_131 : vector<16xf32>
    %add3A_133 = arith.addf %add3A_132, %div3A_113 : vector<16xf32>
    %sub3A_134 = arith.subf %add3A_123, %add3A_118 : vector<16xf32>
    %sub3A_135 = arith.subf %add3A_133, %add3A_128 : vector<16xf32>
    %mul3A_136 = arith.mulf %sub3A_134, %sub3A_135 : vector<16xf32>
    %add3A_137 = arith.constant 0 : i32
    %add3A_138 = vector.broadcast %add3A_137 : i32 to vector<16xi32>
    %add3A_139 = arith.addi %mul3A_85, %add3A_138 : vector<16xi32>
    %gather3A_140 = tpu.vector_load_idx %arg5[%add3A_139] : memref<11760xf32, #tpu.memory_space<vmem>>[vector<16xi32>], vector<16xf32>,
    %add3A_141 = arith.constant 1 : i32
    %add3A_142 = vector.broadcast %add3A_141 : i32 to vector<16xi32>
    %add3A_143 = arith.addi %mul3A_85, %add3A_142 : vector<16xi32>
    %gather3A_144 = tpu.vector_load_idx %arg5[%add3A_143] : memref<11760xf32, #tpu.memory_space<vmem>>[vector<16xi32>], vector<16xf32>,
    %add3A_145 = arith.constant 2 : i32
    %add3A_146 = vector.broadcast %add3A_145 : i32 to vector<16xi32>
    %add3A_147 = arith.addi %mul3A_85, %add3A_146 : vector<16xi32>
    %gather3A_148 = tpu.vector_load_idx %arg5[%add3A_147] : memref<11760xf32, #tpu.memory_space<vmem>>[vector<16xi32>], vector<16xf32>,
    %add3A_149 = arith.constant 3 : i32
    %add3A_150 = vector.broadcast %add3A_149 : i32 to vector<16xi32>
    %add3A_151 = arith.addi %mul3A_85, %add3A_150 : vector<16xi32>
    %gather3A_152 = tpu.vector_load_idx %arg5[%add3A_151] : memref<11760xf32, #tpu.memory_space<vmem>>[vector<16xi32>], vector<16xf32>,
    %add3A_153 = arith.constant 4 : i32
    %add3A_154 = vector.broadcast %add3A_153 : i32 to vector<16xi32>
    %add3A_155 = arith.addi %mul3A_85, %add3A_154 : vector<16xi32>
    %gather3A_156 = tpu.vector_load_idx %arg5[%add3A_155] : memref<11760xf32, #tpu.memory_space<vmem>>[vector<16xi32>], vector<16xf32>,
    %add3A_157 = arith.constant 5 : i32
    %add3A_158 = vector.broadcast %add3A_157 : i32 to vector<16xi32>
    %add3A_159 = arith.addi %mul3A_85, %add3A_158 : vector<16xi32>
    %gather3A_160 = tpu.vector_load_idx %arg5[%add3A_159] : memref<11760xf32, #tpu.memory_space<vmem>>[vector<16xi32>], vector<16xf32>,
    %add3A_161 = arith.constant 6 : i32
    %add3A_162 = vector.broadcast %add3A_161 : i32 to vector<16xi32>
    %add3A_163 = arith.addi %mul3A_85, %add3A_162 : vector<16xi32>
    %gather3A_164 = tpu.vector_load_idx %arg5[%add3A_163] : memref<11760xf32, #tpu.memory_space<vmem>>[vector<16xi32>], vector<16xf32>,
    %add3A_165 = arith.constant 7 : i32
    %add3A_166 = vector.broadcast %add3A_165 : i32 to vector<16xi32>
    %add3A_167 = arith.addi %mul3A_85, %add3A_166 : vector<16xi32>
    %gather3A_168 = tpu.vector_load_idx %arg5[%add3A_167] : memref<11760xf32, #tpu.memory_space<vmem>>[vector<16xi32>], vector<16xf32>,
    %add3A_169 = arith.constant 8 : i32
    %add3A_170 = vector.broadcast %add3A_169 : i32 to vector<16xi32>
    %add3A_171 = arith.addi %mul3A_85, %add3A_170 : vector<16xi32>
    %gather3A_172 = tpu.vector_load_idx %arg5[%add3A_171] : memref<11760xf32, #tpu.memory_space<vmem>>[vector<16xi32>], vector<16xf32>,
    %add3A_173 = arith.constant 9 : i32
    %add3A_174 = vector.broadcast %add3A_173 : i32 to vector<16xi32>
    %add3A_175 = arith.addi %mul3A_85, %add3A_174 : vector<16xi32>
    %gather3A_176 = tpu.vector_load_idx %arg5[%add3A_175] : memref<11760xf32, #tpu.memory_space<vmem>>[vector<16xi32>], vector<16xf32>,
    %div3A_177 = arith.constant 1.400000e+01 : f32
    %div3A_178 = vector.broadcast %div3A_177 : f32 to vector<16xf32>
    %div3A_179 = arith.divf %gather3A_140, %div3A_178 : vector<16xf32>
    %div3A_180 = arith.constant 1.400000e+01 : f32
    %div3A_181 = vector.broadcast %div3A_180 : f32 to vector<16xf32>
    %div3A_182 = arith.divf %gather3A_144, %div3A_181 : vector<16xf32>
    %mul3A_183 = arith.constant 5.000000e-01 : f32
    %mul3A_184 = vector.broadcast %mul3A_183 : f32 to vector<16xf32>
    %mul3A_185 = arith.mulf %mul3A_184, %gather3A_148 : vector<16xf32>
    %sub3A_186 = arith.subf %div3A_179, %mul3A_185 : vector<16xf32>
    %add3A_187 = arith.addf %sub3A_186, %div3A_110 : vector<16xf32>
    %mul3A_188 = arith.constant 5.000000e-01 : f32
    %mul3A_189 = vector.broadcast %mul3A_188 : f32 to vector<16xf32>
    %mul3A_190 = arith.mulf %mul3A_189, %gather3A_148 : vector<16xf32>
    %add3A_191 = arith.addf %div3A_179, %mul3A_190 : vector<16xf32>
    %add3A_192 = arith.addf %add3A_191, %div3A_110 : vector<16xf32>
    %mul3A_193 = arith.constant 5.000000e-01 : f32
    %mul3A_194 = vector.broadcast %mul3A_193 : f32 to vector<16xf32>
    %mul3A_195 = arith.mulf %mul3A_194, %gather3A_152 : vector<16xf32>
    %sub3A_196 = arith.subf %div3A_182, %mul3A_195 : vector<16xf32>
    %add3A_197 = arith.addf %sub3A_196, %div3A_113 : vector<16xf32>
    %mul3A_198 = arith.constant 5.000000e-01 : f32
    %mul3A_199 = vector.broadcast %mul3A_198 : f32 to vector<16xf32>
    %mul3A_200 = arith.mulf %mul3A_199, %gather3A_152 : vector<16xf32>
    %add3A_201 = arith.addf %div3A_182, %mul3A_200 : vector<16xf32>
    %add3A_202 = arith.addf %add3A_201, %div3A_113 : vector<16xf32>
    %max3A = arith.maximumf %add3A_118, %add3A_187 : vector<16xf32>
    %max3A_203 = arith.maximumf %add3A_128, %add3A_197 : vector<16xf32>
    %min3A_204 = arith.minimumf %add3A_123, %add3A_192 : vector<16xf32>
    %min3A_205 = arith.minimumf %add3A_133, %add3A_202 : vector<16xf32>
    %sub3A_206 = arith.subf %min3A_204, %max3A : vector<16xf32>
    %max3A_207 = arith.constant 0.000000e+00 : f32
    %max3A_208 = vector.broadcast %max3A_207 : f32 to vector<16xf32>
    %max3A_209 = arith.maximumf %sub3A_206, %max3A_208 : vector<16xf32>
    %sub3A_210 = arith.subf %min3A_205, %max3A_203 : vector<16xf32>
    %max3A_211 = arith.constant 0.000000e+00 : f32
    %max3A_212 = vector.broadcast %max3A_211 : f32 to vector<16xf32>
    %max3A_213 = arith.maximumf %sub3A_210, %max3A_212 : vector<16xf32>
    %mul3A_214 = arith.mulf %max3A_209, %max3A_213 : vector<16xf32>
    %sub3A_215 = arith.subf %add3A_192, %add3A_187 : vector<16xf32>
    %sub3A_216 = arith.subf %add3A_202, %add3A_197 : vector<16xf32>
    %mul3A_217 = arith.mulf %sub3A_215, %sub3A_216 : vector<16xf32>
    %add3A_218 = arith.addf %mul3A_136, %mul3A_217 : vector<16xf32>
    %sub3A_219 = arith.subf %add3A_218, %mul3A_214 : vector<16xf32>
    %div3A_220 = arith.divf %mul3A_214, %sub3A_219 : vector<16xf32>
    %div3A_221 = arith.constant 1.400000e+01 : f32
    %div3A_222 = vector.broadcast %div3A_221 : f32 to vector<16xf32>
    %div3A_223 = arith.divf %gather3A_160, %div3A_222 : vector<16xf32>
    %div3A_224 = arith.constant 1.400000e+01 : f32
    %div3A_225 = vector.broadcast %div3A_224 : f32 to vector<16xf32>
    %div3A_226 = arith.divf %gather3A_164, %div3A_225 : vector<16xf32>
    %mul3A_227 = arith.constant 5.000000e-01 : f32
    %mul3A_228 = vector.broadcast %mul3A_227 : f32 to vector<16xf32>
    %mul3A_229 = arith.mulf %mul3A_228, %gather3A_168 : vector<16xf32>
    %sub3A_230 = arith.subf %div3A_223, %mul3A_229 : vector<16xf32>
    %add3A_231 = arith.addf %sub3A_230, %div3A_110 : vector<16xf32>
    %mul3A_232 = arith.constant 5.000000e-01 : f32
    %mul3A_233 = vector.broadcast %mul3A_232 : f32 to vector<16xf32>
    %mul3A_234 = arith.mulf %mul3A_233, %gather3A_168 : vector<16xf32>
    %add3A_235 = arith.addf %div3A_223, %mul3A_234 : vector<16xf32>
    %add3A_236 = arith.addf %add3A_235, %div3A_110 : vector<16xf32>
    %mul3A_237 = arith.constant 5.000000e-01 : f32
    %mul3A_238 = vector.broadcast %mul3A_237 : f32 to vector<16xf32>
    %mul3A_239 = arith.mulf %mul3A_238, %gather3A_172 : vector<16xf32>
    %sub3A_240 = arith.subf %div3A_226, %mul3A_239 : vector<16xf32>
    %add3A_241 = arith.addf %sub3A_240, %div3A_113 : vector<16xf32>
    %mul3A_242 = arith.constant 5.000000e-01 : f32
    %mul3A_243 = vector.broadcast %mul3A_242 : f32 to vector<16xf32>
    %mul3A_244 = arith.mulf %mul3A_243, %gather3A_172 : vector<16xf32>
    %add3A_245 = arith.addf %div3A_226, %mul3A_244 : vector<16xf32>
    %add3A_246 = arith.addf %add3A_245, %div3A_113 : vector<16xf32>
    %max3A_247 = arith.maximumf %add3A_118, %add3A_231 : vector<16xf32>
    %max3A_248 = arith.maximumf %add3A_128, %add3A_241 : vector<16xf32>
    %min3A_249 = arith.minimumf %add3A_123, %add3A_236 : vector<16xf32>
    %min3A_250 = arith.minimumf %add3A_133, %add3A_246 : vector<16xf32>
    %sub3A_251 = arith.subf %min3A_249, %max3A_247 : vector<16xf32>
    %max3A_252 = arith.constant 0.000000e+00 : f32
    %max3A_253 = vector.broadcast %max3A_252 : f32 to vector<16xf32>
    %max3A_254 = arith.maximumf %sub3A_251, %max3A_253 : vector<16xf32>
    %sub3A_255 = arith.subf %min3A_250, %max3A_248 : vector<16xf32>
    %max3A_256 = arith.constant 0.000000e+00 : f32
    %max3A_257 = vector.broadcast %max3A_256 : f32 to vector<16xf32>
    %max3A_258 = arith.maximumf %sub3A_255, %max3A_257 : vector<16xf32>
    %mul3A_259 = arith.mulf %max3A_254, %max3A_258 : vector<16xf32>
    %sub3A_260 = arith.subf %add3A_236, %add3A_231 : vector<16xf32>
    %sub3A_261 = arith.subf %add3A_246, %add3A_241 : vector<16xf32>
    %mul3A_262 = arith.mulf %sub3A_260, %sub3A_261 : vector<16xf32>
    %add3A_263 = arith.addf %mul3A_136, %mul3A_262 : vector<16xf32>
    %sub3A_264 = arith.subf %add3A_263, %mul3A_259 : vector<16xf32>
    %div3A_265 = arith.divf %mul3A_259, %sub3A_264 : vector<16xf32>
    %gt3A = arith.cmpf ogt, %div3A_265, %div3A_220 : vector<16xf32>
    %select_n3A_266 = arith.select %gt3A, %gather3A_160, %gather3A_140 : vector<16xi1>, vector<16xf32>
    %select_n3A_267 = arith.select %gt3A, %gather3A_164, %gather3A_144 : vector<16xi1>, vector<16xf32>
    %select_n3A_268 = arith.select %gt3A, %gather3A_168, %gather3A_148 : vector<16xi1>, vector<16xf32>
    %select_n3A_269 = arith.select %gt3A, %gather3A_172, %gather3A_152 : vector<16xi1>, vector<16xf32>
    %select_n3A_270 = arith.select %gt3A, %gather3A_176, %gather3A_156 : vector<16xi1>, vector<16xf32>
    %select_n3A_271 = arith.select %gt3A, %gather3A_156, %gather3A_176 : vector<16xi1>, vector<16xf32>
    %select_n3A_272 = arith.select %gt3A, %div3A_265, %div3A_220 : vector<16xi1>, vector<16xf32>
    %select_n3A_273 = arith.select %lt3A_68, %broadcast_in_dim3A_8, %broadcast_in_dim3A_6 : vector<16xi1>, vector<16xf32>
    %sub3A_274 = arith.subf %gather3A_89, %select_n3A_266 : vector<16xf32>
    %sub3A_275 = arith.subf %gather3A_93, %select_n3A_267 : vector<16xf32>
    %mul3A_276 = arith.mulf %sub3A_274, %sub3A_274 : vector<16xf32>
    %mul3A_277 = arith.mulf %sub3A_275, %sub3A_275 : vector<16xf32>
    %add3A_278 = arith.addf %mul3A_276, %mul3A_277 : vector<16xf32>
    %mul3A_279 = arith.mulf %select_n3A_273, %add3A_278 : vector<16xf32>
    %bitcast3A = vector.bitcast %gather3A_97 : vector<16xf32> to vector<16xi32>
    %shift_right_arithmetic3A = arith.constant 1 : i32
    %shift_right_arithmetic3A_280 = vector.broadcast %shift_right_arithmetic3A : i32 to vector<16xi32>
    %shift_right_arithmetic3A_281 = arith.shrsi %bitcast3A, %shift_right_arithmetic3A_280 : vector<16xi32>
    %add3A_282 = arith.constant 532487669 : i32
    %add3A_283 = vector.broadcast %add3A_282 : i32 to vector<16xi32>
    %add3A_284 = arith.addi %shift_right_arithmetic3A_281, %add3A_283 : vector<16xi32>
    %bitcast3A_285 = vector.bitcast %add3A_284 : vector<16xi32> to vector<16xf32>
    %div3A_286 = arith.divf %gather3A_97, %bitcast3A_285 : vector<16xf32>
    %add3A_287 = arith.addf %bitcast3A_285, %div3A_286 : vector<16xf32>
    %mul3A_288 = arith.constant 5.000000e-01 : f32
    %mul3A_289 = vector.broadcast %mul3A_288 : f32 to vector<16xf32>
    %mul3A_290 = arith.mulf %mul3A_289, %add3A_287 : vector<16xf32>
    %div3A_291 = arith.divf %gather3A_97, %mul3A_290 : vector<16xf32>
    %add3A_292 = arith.addf %mul3A_290, %div3A_291 : vector<16xf32>
    %mul3A_293 = arith.constant 5.000000e-01 : f32
    %mul3A_294 = vector.broadcast %mul3A_293 : f32 to vector<16xf32>
    %mul3A_295 = arith.mulf %mul3A_294, %add3A_292 : vector<16xf32>
    %div3A_296 = arith.divf %gather3A_97, %mul3A_295 : vector<16xf32>
    %add3A_297 = arith.addf %mul3A_295, %div3A_296 : vector<16xf32>
    %mul3A_298 = arith.constant 5.000000e-01 : f32
    %mul3A_299 = vector.broadcast %mul3A_298 : f32 to vector<16xf32>
    %mul3A_300 = arith.mulf %mul3A_299, %add3A_297 : vector<16xf32>
    %bitcast3A_301 = vector.bitcast %select_n3A_268 : vector<16xf32> to vector<16xi32>
    %shift_right_arithmetic3A_302 = arith.constant 1 : i32
    %shift_right_arithmetic3A_303 = vector.broadcast %shift_right_arithmetic3A_302 : i32 to vector<16xi32>
    %shift_right_arithmetic3A_304 = arith.shrsi %bitcast3A_301, %shift_right_arithmetic3A_303 : vector<16xi32>
    %add3A_305 = arith.constant 532487669 : i32
    %add3A_306 = vector.broadcast %add3A_305 : i32 to vector<16xi32>
    %add3A_307 = arith.addi %shift_right_arithmetic3A_304, %add3A_306 : vector<16xi32>
    %bitcast3A_308 = vector.bitcast %add3A_307 : vector<16xi32> to vector<16xf32>
    %div3A_309 = arith.divf %select_n3A_268, %bitcast3A_308 : vector<16xf32>
    %add3A_310 = arith.addf %bitcast3A_308, %div3A_309 : vector<16xf32>
    %mul3A_311 = arith.constant 5.000000e-01 : f32
    %mul3A_312 = vector.broadcast %mul3A_311 : f32 to vector<16xf32>
    %mul3A_313 = arith.mulf %mul3A_312, %add3A_310 : vector<16xf32>
    %div3A_314 = arith.divf %select_n3A_268, %mul3A_313 : vector<16xf32>
    %add3A_315 = arith.addf %mul3A_313, %div3A_314 : vector<16xf32>
    %mul3A_316 = arith.constant 5.000000e-01 : f32
    %mul3A_317 = vector.broadcast %mul3A_316 : f32 to vector<16xf32>
    %mul3A_318 = arith.mulf %mul3A_317, %add3A_315 : vector<16xf32>
    %div3A_319 = arith.divf %select_n3A_268, %mul3A_318 : vector<16xf32>
    %add3A_320 = arith.addf %mul3A_318, %div3A_319 : vector<16xf32>
    %mul3A_321 = arith.constant 5.000000e-01 : f32
    %mul3A_322 = vector.broadcast %mul3A_321 : f32 to vector<16xf32>
    %mul3A_323 = arith.mulf %mul3A_322, %add3A_320 : vector<16xf32>
    %sub3A_324 = arith.subf %mul3A_300, %mul3A_323 : vector<16xf32>
    %bitcast3A_325 = vector.bitcast %gather3A_101 : vector<16xf32> to vector<16xi32>
    %shift_right_arithmetic3A_326 = arith.constant 1 : i32
    %shift_right_arithmetic3A_327 = vector.broadcast %shift_right_arithmetic3A_326 : i32 to vector<16xi32>
    %shift_right_arithmetic3A_328 = arith.shrsi %bitcast3A_325, %shift_right_arithmetic3A_327 : vector<16xi32>
    %add3A_329 = arith.constant 532487669 : i32
    %add3A_330 = vector.broadcast %add3A_329 : i32 to vector<16xi32>
    %add3A_331 = arith.addi %shift_right_arithmetic3A_328, %add3A_330 : vector<16xi32>
    %bitcast3A_332 = vector.bitcast %add3A_331 : vector<16xi32> to vector<16xf32>
    %div3A_333 = arith.divf %gather3A_101, %bitcast3A_332 : vector<16xf32>
    %add3A_334 = arith.addf %bitcast3A_332, %div3A_333 : vector<16xf32>
    %mul3A_335 = arith.constant 5.000000e-01 : f32
    %mul3A_336 = vector.broadcast %mul3A_335 : f32 to vector<16xf32>
    %mul3A_337 = arith.mulf %mul3A_336, %add3A_334 : vector<16xf32>
    %div3A_338 = arith.divf %gather3A_101, %mul3A_337 : vector<16xf32>
    %add3A_339 = arith.addf %mul3A_337, %div3A_338 : vector<16xf32>
    %mul3A_340 = arith.constant 5.000000e-01 : f32
    %mul3A_341 = vector.broadcast %mul3A_340 : f32 to vector<16xf32>
    %mul3A_342 = arith.mulf %mul3A_341, %add3A_339 : vector<16xf32>
    %div3A_343 = arith.divf %gather3A_101, %mul3A_342 : vector<16xf32>
    %add3A_344 = arith.addf %mul3A_342, %div3A_343 : vector<16xf32>
    %mul3A_345 = arith.constant 5.000000e-01 : f32
    %mul3A_346 = vector.broadcast %mul3A_345 : f32 to vector<16xf32>
    %mul3A_347 = arith.mulf %mul3A_346, %add3A_344 : vector<16xf32>
    %bitcast3A_348 = vector.bitcast %select_n3A_269 : vector<16xf32> to vector<16xi32>
    %shift_right_arithmetic3A_349 = arith.constant 1 : i32
    %shift_right_arithmetic3A_350 = vector.broadcast %shift_right_arithmetic3A_349 : i32 to vector<16xi32>
    %shift_right_arithmetic3A_351 = arith.shrsi %bitcast3A_348, %shift_right_arithmetic3A_350 : vector<16xi32>
    %add3A_352 = arith.constant 532487669 : i32
    %add3A_353 = vector.broadcast %add3A_352 : i32 to vector<16xi32>
    %add3A_354 = arith.addi %shift_right_arithmetic3A_351, %add3A_353 : vector<16xi32>
    %bitcast3A_355 = vector.bitcast %add3A_354 : vector<16xi32> to vector<16xf32>
    %div3A_356 = arith.divf %select_n3A_269, %bitcast3A_355 : vector<16xf32>
    %add3A_357 = arith.addf %bitcast3A_355, %div3A_356 : vector<16xf32>
    %mul3A_358 = arith.constant 5.000000e-01 : f32
    %mul3A_359 = vector.broadcast %mul3A_358 : f32 to vector<16xf32>
    %mul3A_360 = arith.mulf %mul3A_359, %add3A_357 : vector<16xf32>
    %div3A_361 = arith.divf %select_n3A_269, %mul3A_360 : vector<16xf32>
    %add3A_362 = arith.addf %mul3A_360, %div3A_361 : vector<16xf32>
    %mul3A_363 = arith.constant 5.000000e-01 : f32
    %mul3A_364 = vector.broadcast %mul3A_363 : f32 to vector<16xf32>
    %mul3A_365 = arith.mulf %mul3A_364, %add3A_362 : vector<16xf32>
    %div3A_366 = arith.divf %select_n3A_269, %mul3A_365 : vector<16xf32>
    %add3A_367 = arith.addf %mul3A_365, %div3A_366 : vector<16xf32>
    %mul3A_368 = arith.constant 5.000000e-01 : f32
    %mul3A_369 = vector.broadcast %mul3A_368 : f32 to vector<16xf32>
    %mul3A_370 = arith.mulf %mul3A_369, %add3A_367 : vector<16xf32>
    %sub3A_371 = arith.subf %mul3A_347, %mul3A_370 : vector<16xf32>
    %mul3A_372 = arith.mulf %sub3A_324, %sub3A_324 : vector<16xf32>
    %mul3A_373 = arith.mulf %sub3A_371, %sub3A_371 : vector<16xf32>
    %add3A_374 = arith.addf %mul3A_372, %mul3A_373 : vector<16xf32>
    %mul3A_375 = arith.mulf %select_n3A_273, %add3A_374 : vector<16xf32>
    %sub3A_376 = arith.subf %select_n3A_272, %select_n3A_270 : vector<16xf32>
    %mul3A_377 = arith.mulf %sub3A_376, %sub3A_376 : vector<16xf32>
    %mul3A_378 = arith.mulf %select_n3A_273, %mul3A_377 : vector<16xf32>
    %mul3A_379 = arith.mulf %select_n3A_271, %select_n3A_271 : vector<16xf32>
    %mul3A_380 = arith.mulf %select_n3A_273, %mul3A_379 : vector<16xf32>
    %add3A_381 = arith.addf %scan3A_65#1, %mul3A_380 : vector<16xf32>
    %add3A_382 = arith.constant 10 : i32
    %add3A_383 = vector.broadcast %add3A_382 : i32 to vector<16xi32>
    %add3A_384 = arith.addi %mul3A_85, %add3A_383 : vector<16xi32>
    %gather3A_385 = tpu.vector_load_idx %arg6[%add3A_384] : memref<11760xf32, #tpu.memory_space<vmem>>[vector<16xi32>], vector<16xf32>,
    %add3A_386 = arith.constant 10 : i32
    %add3A_387 = vector.broadcast %add3A_386 : i32 to vector<16xi32>
    %add3A_388 = arith.addi %mul3A_85, %add3A_387 : vector<16xi32>
    %gather3A_389 = tpu.vector_load_idx %arg5[%add3A_388] : memref<11760xf32, #tpu.memory_space<vmem>>[vector<16xi32>], vector<16xf32>,
    %sub3A_390 = arith.subf %gather3A_385, %gather3A_389 : vector<16xf32>
    %mul3A_391 = arith.mulf %sub3A_390, %sub3A_390 : vector<16xf32>
    %add3A_392 = arith.addf %broadcast_in_dim3A_6, %mul3A_391 : vector<16xf32>
    %add3A_393 = arith.constant 11 : i32
    %add3A_394 = vector.broadcast %add3A_393 : i32 to vector<16xi32>
    %add3A_395 = arith.addi %mul3A_85, %add3A_394 : vector<16xi32>
    %gather3A_396 = tpu.vector_load_idx %arg6[%add3A_395] : memref<11760xf32, #tpu.memory_space<vmem>>[vector<16xi32>], vector<16xf32>,
    %add3A_397 = arith.constant 11 : i32
    %add3A_398 = vector.broadcast %add3A_397 : i32 to vector<16xi32>
    %add3A_399 = arith.addi %mul3A_85, %add3A_398 : vector<16xi32>
    %gather3A_400 = tpu.vector_load_idx %arg5[%add3A_399] : memref<11760xf32, #tpu.memory_space<vmem>>[vector<16xi32>], vector<16xf32>,
    %sub3A_401 = arith.subf %gather3A_396, %gather3A_400 : vector<16xf32>
    %mul3A_402 = arith.mulf %sub3A_401, %sub3A_401 : vector<16xf32>
    %add3A_403 = arith.addf %add3A_392, %mul3A_402 : vector<16xf32>
    %add3A_404 = arith.constant 12 : i32
    %add3A_405 = vector.broadcast %add3A_404 : i32 to vector<16xi32>
    %add3A_406 = arith.addi %mul3A_85, %add3A_405 : vector<16xi32>
    %gather3A_407 = tpu.vector_load_idx %arg6[%add3A_406] : memref<11760xf32, #tpu.memory_space<vmem>>[vector<16xi32>], vector<16xf32>,
    %add3A_408 = arith.constant 12 : i32
    %add3A_409 = vector.broadcast %add3A_408 : i32 to vector<16xi32>
    %add3A_410 = arith.addi %mul3A_85, %add3A_409 : vector<16xi32>
    %gather3A_411 = tpu.vector_load_idx %arg5[%add3A_410] : memref<11760xf32, #tpu.memory_space<vmem>>[vector<16xi32>], vector<16xf32>,
    %sub3A_412 = arith.subf %gather3A_407, %gather3A_411 : vector<16xf32>
    %mul3A_413 = arith.mulf %sub3A_412, %sub3A_412 : vector<16xf32>
    %add3A_414 = arith.addf %add3A_403, %mul3A_413 : vector<16xf32>
    %add3A_415 = arith.constant 13 : i32
    %add3A_416 = vector.broadcast %add3A_415 : i32 to vector<16xi32>
    %add3A_417 = arith.addi %mul3A_85, %add3A_416 : vector<16xi32>
    %gather3A_418 = tpu.vector_load_idx %arg6[%add3A_417] : memref<11760xf32, #tpu.memory_space<vmem>>[vector<16xi32>], vector<16xf32>,
    %add3A_419 = arith.constant 13 : i32
    %add3A_420 = vector.broadcast %add3A_419 : i32 to vector<16xi32>
    %add3A_421 = arith.addi %mul3A_85, %add3A_420 : vector<16xi32>
    %gather3A_422 = tpu.vector_load_idx %arg5[%add3A_421] : memref<11760xf32, #tpu.memory_space<vmem>>[vector<16xi32>], vector<16xf32>,
    %sub3A_423 = arith.subf %gather3A_418, %gather3A_422 : vector<16xf32>
    %mul3A_424 = arith.mulf %sub3A_423, %sub3A_423 : vector<16xf32>
    %add3A_425 = arith.addf %add3A_414, %mul3A_424 : vector<16xf32>
    %add3A_426 = arith.constant 14 : i32
    %add3A_427 = vector.broadcast %add3A_426 : i32 to vector<16xi32>
    %add3A_428 = arith.addi %mul3A_85, %add3A_427 : vector<16xi32>
    %gather3A_429 = tpu.vector_load_idx %arg6[%add3A_428] : memref<11760xf32, #tpu.memory_space<vmem>>[vector<16xi32>], vector<16xf32>,
    %add3A_430 = arith.constant 14 : i32
    %add3A_431 = vector.broadcast %add3A_430 : i32 to vector<16xi32>
    %add3A_432 = arith.addi %mul3A_85, %add3A_431 : vector<16xi32>
    %gather3A_433 = tpu.vector_load_idx %arg5[%add3A_432] : memref<11760xf32, #tpu.memory_space<vmem>>[vector<16xi32>], vector<16xf32>,
    %sub3A_434 = arith.subf %gather3A_429, %gather3A_433 : vector<16xf32>
    %mul3A_435 = arith.mulf %sub3A_434, %sub3A_434 : vector<16xf32>
    %add3A_436 = arith.addf %add3A_425, %mul3A_435 : vector<16xf32>
    %add3A_437 = arith.constant 15 : i32
    %add3A_438 = vector.broadcast %add3A_437 : i32 to vector<16xi32>
    %add3A_439 = arith.addi %mul3A_85, %add3A_438 : vector<16xi32>
    %gather3A_440 = tpu.vector_load_idx %arg6[%add3A_439] : memref<11760xf32, #tpu.memory_space<vmem>>[vector<16xi32>], vector<16xf32>,
    %add3A_441 = arith.constant 15 : i32
    %add3A_442 = vector.broadcast %add3A_441 : i32 to vector<16xi32>
    %add3A_443 = arith.addi %mul3A_85, %add3A_442 : vector<16xi32>
    %gather3A_444 = tpu.vector_load_idx %arg5[%add3A_443] : memref<11760xf32, #tpu.memory_space<vmem>>[vector<16xi32>], vector<16xf32>,
    %sub3A_445 = arith.subf %gather3A_440, %gather3A_444 : vector<16xf32>
    %mul3A_446 = arith.mulf %sub3A_445, %sub3A_445 : vector<16xf32>
    %add3A_447 = arith.addf %add3A_436, %mul3A_446 : vector<16xf32>
    %add3A_448 = arith.constant 16 : i32
    %add3A_449 = vector.broadcast %add3A_448 : i32 to vector<16xi32>
    %add3A_450 = arith.addi %mul3A_85, %add3A_449 : vector<16xi32>
    %gather3A_451 = tpu.vector_load_idx %arg6[%add3A_450] : memref<11760xf32, #tpu.memory_space<vmem>>[vector<16xi32>], vector<16xf32>,
    %add3A_452 = arith.constant 16 : i32
    %add3A_453 = vector.broadcast %add3A_452 : i32 to vector<16xi32>
    %add3A_454 = arith.addi %mul3A_85, %add3A_453 : vector<16xi32>
    %gather3A_455 = tpu.vector_load_idx %arg5[%add3A_454] : memref<11760xf32, #tpu.memory_space<vmem>>[vector<16xi32>], vector<16xf32>,
    %sub3A_456 = arith.subf %gather3A_451, %gather3A_455 : vector<16xf32>
    %mul3A_457 = arith.mulf %sub3A_456, %sub3A_456 : vector<16xf32>
    %add3A_458 = arith.addf %add3A_447, %mul3A_457 : vector<16xf32>
    %add3A_459 = arith.constant 17 : i32
    %add3A_460 = vector.broadcast %add3A_459 : i32 to vector<16xi32>
    %add3A_461 = arith.addi %mul3A_85, %add3A_460 : vector<16xi32>
    %gather3A_462 = tpu.vector_load_idx %arg6[%add3A_461] : memref<11760xf32, #tpu.memory_space<vmem>>[vector<16xi32>], vector<16xf32>,
    %add3A_463 = arith.constant 17 : i32
    %add3A_464 = vector.broadcast %add3A_463 : i32 to vector<16xi32>
    %add3A_465 = arith.addi %mul3A_85, %add3A_464 : vector<16xi32>
    %gather3A_466 = tpu.vector_load_idx %arg5[%add3A_465] : memref<11760xf32, #tpu.memory_space<vmem>>[vector<16xi32>], vector<16xf32>,
    %sub3A_467 = arith.subf %gather3A_462, %gather3A_466 : vector<16xf32>
    %mul3A_468 = arith.mulf %sub3A_467, %sub3A_467 : vector<16xf32>
    %add3A_469 = arith.addf %add3A_458, %mul3A_468 : vector<16xf32>
    %add3A_470 = arith.constant 18 : i32
    %add3A_471 = vector.broadcast %add3A_470 : i32 to vector<16xi32>
    %add3A_472 = arith.addi %mul3A_85, %add3A_471 : vector<16xi32>
    %gather3A_473 = tpu.vector_load_idx %arg6[%add3A_472] : memref<11760xf32, #tpu.memory_space<vmem>>[vector<16xi32>], vector<16xf32>,
    %add3A_474 = arith.constant 18 : i32
    %add3A_475 = vector.broadcast %add3A_474 : i32 to vector<16xi32>
    %add3A_476 = arith.addi %mul3A_85, %add3A_475 : vector<16xi32>
    %gather3A_477 = tpu.vector_load_idx %arg5[%add3A_476] : memref<11760xf32, #tpu.memory_space<vmem>>[vector<16xi32>], vector<16xf32>,
    %sub3A_478 = arith.subf %gather3A_473, %gather3A_477 : vector<16xf32>
    %mul3A_479 = arith.mulf %sub3A_478, %sub3A_478 : vector<16xf32>
    %add3A_480 = arith.addf %add3A_469, %mul3A_479 : vector<16xf32>
    %add3A_481 = arith.constant 19 : i32
    %add3A_482 = vector.broadcast %add3A_481 : i32 to vector<16xi32>
    %add3A_483 = arith.addi %mul3A_85, %add3A_482 : vector<16xi32>
    %gather3A_484 = tpu.vector_load_idx %arg6[%add3A_483] : memref<11760xf32, #tpu.memory_space<vmem>>[vector<16xi32>], vector<16xf32>,
    %add3A_485 = arith.constant 19 : i32
    %add3A_486 = vector.broadcast %add3A_485 : i32 to vector<16xi32>
    %add3A_487 = arith.addi %mul3A_85, %add3A_486 : vector<16xi32>
    %gather3A_488 = tpu.vector_load_idx %arg5[%add3A_487] : memref<11760xf32, #tpu.memory_space<vmem>>[vector<16xi32>], vector<16xf32>,
    %sub3A_489 = arith.subf %gather3A_484, %gather3A_488 : vector<16xf32>
    %mul3A_490 = arith.mulf %sub3A_489, %sub3A_489 : vector<16xf32>
    %add3A_491 = arith.addf %add3A_480, %mul3A_490 : vector<16xf32>
    %add3A_492 = arith.constant 20 : i32
    %add3A_493 = vector.broadcast %add3A_492 : i32 to vector<16xi32>
    %add3A_494 = arith.addi %mul3A_85, %add3A_493 : vector<16xi32>
    %gather3A_495 = tpu.vector_load_idx %arg6[%add3A_494] : memref<11760xf32, #tpu.memory_space<vmem>>[vector<16xi32>], vector<16xf32>,
    %add3A_496 = arith.constant 20 : i32
    %add3A_497 = vector.broadcast %add3A_496 : i32 to vector<16xi32>
    %add3A_498 = arith.addi %mul3A_85, %add3A_497 : vector<16xi32>
    %gather3A_499 = tpu.vector_load_idx %arg5[%add3A_498] : memref<11760xf32, #tpu.memory_space<vmem>>[vector<16xi32>], vector<16xf32>,
    %sub3A_500 = arith.subf %gather3A_495, %gather3A_499 : vector<16xf32>
    %mul3A_501 = arith.mulf %sub3A_500, %sub3A_500 : vector<16xf32>
    %add3A_502 = arith.addf %add3A_491, %mul3A_501 : vector<16xf32>
    %add3A_503 = arith.constant 21 : i32
    %add3A_504 = vector.broadcast %add3A_503 : i32 to vector<16xi32>
    %add3A_505 = arith.addi %mul3A_85, %add3A_504 : vector<16xi32>
    %gather3A_506 = tpu.vector_load_idx %arg6[%add3A_505] : memref<11760xf32, #tpu.memory_space<vmem>>[vector<16xi32>], vector<16xf32>,
    %add3A_507 = arith.constant 21 : i32
    %add3A_508 = vector.broadcast %add3A_507 : i32 to vector<16xi32>
    %add3A_509 = arith.addi %mul3A_85, %add3A_508 : vector<16xi32>
    %gather3A_510 = tpu.vector_load_idx %arg5[%add3A_509] : memref<11760xf32, #tpu.memory_space<vmem>>[vector<16xi32>], vector<16xf32>,
    %sub3A_511 = arith.subf %gather3A_506, %gather3A_510 : vector<16xf32>
    %mul3A_512 = arith.mulf %sub3A_511, %sub3A_511 : vector<16xf32>
    %add3A_513 = arith.addf %add3A_502, %mul3A_512 : vector<16xf32>
    %add3A_514 = arith.constant 22 : i32
    %add3A_515 = vector.broadcast %add3A_514 : i32 to vector<16xi32>
    %add3A_516 = arith.addi %mul3A_85, %add3A_515 : vector<16xi32>
    %gather3A_517 = tpu.vector_load_idx %arg6[%add3A_516] : memref<11760xf32, #tpu.memory_space<vmem>>[vector<16xi32>], vector<16xf32>,
    %add3A_518 = arith.constant 22 : i32
    %add3A_519 = vector.broadcast %add3A_518 : i32 to vector<16xi32>
    %add3A_520 = arith.addi %mul3A_85, %add3A_519 : vector<16xi32>
    %gather3A_521 = tpu.vector_load_idx %arg5[%add3A_520] : memref<11760xf32, #tpu.memory_space<vmem>>[vector<16xi32>], vector<16xf32>,
    %sub3A_522 = arith.subf %gather3A_517, %gather3A_521 : vector<16xf32>
    %mul3A_523 = arith.mulf %sub3A_522, %sub3A_522 : vector<16xf32>
    %add3A_524 = arith.addf %add3A_513, %mul3A_523 : vector<16xf32>
    %add3A_525 = arith.constant 23 : i32
    %add3A_526 = vector.broadcast %add3A_525 : i32 to vector<16xi32>
    %add3A_527 = arith.addi %mul3A_85, %add3A_526 : vector<16xi32>
    %gather3A_528 = tpu.vector_load_idx %arg6[%add3A_527] : memref<11760xf32, #tpu.memory_space<vmem>>[vector<16xi32>], vector<16xf32>,
    %add3A_529 = arith.constant 23 : i32
    %add3A_530 = vector.broadcast %add3A_529 : i32 to vector<16xi32>
    %add3A_531 = arith.addi %mul3A_85, %add3A_530 : vector<16xi32>
    %gather3A_532 = tpu.vector_load_idx %arg5[%add3A_531] : memref<11760xf32, #tpu.memory_space<vmem>>[vector<16xi32>], vector<16xf32>,
    %sub3A_533 = arith.subf %gather3A_528, %gather3A_532 : vector<16xf32>
    %mul3A_534 = arith.mulf %sub3A_533, %sub3A_533 : vector<16xf32>
    %add3A_535 = arith.addf %add3A_524, %mul3A_534 : vector<16xf32>
    %add3A_536 = arith.constant 24 : i32
    %add3A_537 = vector.broadcast %add3A_536 : i32 to vector<16xi32>
    %add3A_538 = arith.addi %mul3A_85, %add3A_537 : vector<16xi32>
    %gather3A_539 = tpu.vector_load_idx %arg6[%add3A_538] : memref<11760xf32, #tpu.memory_space<vmem>>[vector<16xi32>], vector<16xf32>,
    %add3A_540 = arith.constant 24 : i32
    %add3A_541 = vector.broadcast %add3A_540 : i32 to vector<16xi32>
    %add3A_542 = arith.addi %mul3A_85, %add3A_541 : vector<16xi32>
    %gather3A_543 = tpu.vector_load_idx %arg5[%add3A_542] : memref<11760xf32, #tpu.memory_space<vmem>>[vector<16xi32>], vector<16xf32>,
    %sub3A_544 = arith.subf %gather3A_539, %gather3A_543 : vector<16xf32>
    %mul3A_545 = arith.mulf %sub3A_544, %sub3A_544 : vector<16xf32>
    %add3A_546 = arith.addf %add3A_535, %mul3A_545 : vector<16xf32>
    %add3A_547 = arith.constant 25 : i32
    %add3A_548 = vector.broadcast %add3A_547 : i32 to vector<16xi32>
    %add3A_549 = arith.addi %mul3A_85, %add3A_548 : vector<16xi32>
    %gather3A_550 = tpu.vector_load_idx %arg6[%add3A_549] : memref<11760xf32, #tpu.memory_space<vmem>>[vector<16xi32>], vector<16xf32>,
    %add3A_551 = arith.constant 25 : i32
    %add3A_552 = vector.broadcast %add3A_551 : i32 to vector<16xi32>
    %add3A_553 = arith.addi %mul3A_85, %add3A_552 : vector<16xi32>
    %gather3A_554 = tpu.vector_load_idx %arg5[%add3A_553] : memref<11760xf32, #tpu.memory_space<vmem>>[vector<16xi32>], vector<16xf32>,
    %sub3A_555 = arith.subf %gather3A_550, %gather3A_554 : vector<16xf32>
    %mul3A_556 = arith.mulf %sub3A_555, %sub3A_555 : vector<16xf32>
    %add3A_557 = arith.addf %add3A_546, %mul3A_556 : vector<16xf32>
    %add3A_558 = arith.constant 26 : i32
    %add3A_559 = vector.broadcast %add3A_558 : i32 to vector<16xi32>
    %add3A_560 = arith.addi %mul3A_85, %add3A_559 : vector<16xi32>
    %gather3A_561 = tpu.vector_load_idx %arg6[%add3A_560] : memref<11760xf32, #tpu.memory_space<vmem>>[vector<16xi32>], vector<16xf32>,
    %add3A_562 = arith.constant 26 : i32
    %add3A_563 = vector.broadcast %add3A_562 : i32 to vector<16xi32>
    %add3A_564 = arith.addi %mul3A_85, %add3A_563 : vector<16xi32>
    %gather3A_565 = tpu.vector_load_idx %arg5[%add3A_564] : memref<11760xf32, #tpu.memory_space<vmem>>[vector<16xi32>], vector<16xf32>,
    %sub3A_566 = arith.subf %gather3A_561, %gather3A_565 : vector<16xf32>
    %mul3A_567 = arith.mulf %sub3A_566, %sub3A_566 : vector<16xf32>
    %add3A_568 = arith.addf %add3A_557, %mul3A_567 : vector<16xf32>
    %add3A_569 = arith.constant 27 : i32
    %add3A_570 = vector.broadcast %add3A_569 : i32 to vector<16xi32>
    %add3A_571 = arith.addi %mul3A_85, %add3A_570 : vector<16xi32>
    %gather3A_572 = tpu.vector_load_idx %arg6[%add3A_571] : memref<11760xf32, #tpu.memory_space<vmem>>[vector<16xi32>], vector<16xf32>,
    %add3A_573 = arith.constant 27 : i32
    %add3A_574 = vector.broadcast %add3A_573 : i32 to vector<16xi32>
    %add3A_575 = arith.addi %mul3A_85, %add3A_574 : vector<16xi32>
    %gather3A_576 = tpu.vector_load_idx %arg5[%add3A_575] : memref<11760xf32, #tpu.memory_space<vmem>>[vector<16xi32>], vector<16xf32>,
    %sub3A_577 = arith.subf %gather3A_572, %gather3A_576 : vector<16xf32>
    %mul3A_578 = arith.mulf %sub3A_577, %sub3A_577 : vector<16xf32>
    %add3A_579 = arith.addf %add3A_568, %mul3A_578 : vector<16xf32>
    %add3A_580 = arith.constant 28 : i32
    %add3A_581 = vector.broadcast %add3A_580 : i32 to vector<16xi32>
    %add3A_582 = arith.addi %mul3A_85, %add3A_581 : vector<16xi32>
    %gather3A_583 = tpu.vector_load_idx %arg6[%add3A_582] : memref<11760xf32, #tpu.memory_space<vmem>>[vector<16xi32>], vector<16xf32>,
    %add3A_584 = arith.constant 28 : i32
    %add3A_585 = vector.broadcast %add3A_584 : i32 to vector<16xi32>
    %add3A_586 = arith.addi %mul3A_85, %add3A_585 : vector<16xi32>
    %gather3A_587 = tpu.vector_load_idx %arg5[%add3A_586] : memref<11760xf32, #tpu.memory_space<vmem>>[vector<16xi32>], vector<16xf32>,
    %sub3A_588 = arith.subf %gather3A_583, %gather3A_587 : vector<16xf32>
    %mul3A_589 = arith.mulf %sub3A_588, %sub3A_588 : vector<16xf32>
    %add3A_590 = arith.addf %add3A_579, %mul3A_589 : vector<16xf32>
    %add3A_591 = arith.constant 29 : i32
    %add3A_592 = vector.broadcast %add3A_591 : i32 to vector<16xi32>
    %add3A_593 = arith.addi %mul3A_85, %add3A_592 : vector<16xi32>
    %gather3A_594 = tpu.vector_load_idx %arg6[%add3A_593] : memref<11760xf32, #tpu.memory_space<vmem>>[vector<16xi32>], vector<16xf32>,
    %add3A_595 = arith.constant 29 : i32
    %add3A_596 = vector.broadcast %add3A_595 : i32 to vector<16xi32>
    %add3A_597 = arith.addi %mul3A_85, %add3A_596 : vector<16xi32>
    %gather3A_598 = tpu.vector_load_idx %arg5[%add3A_597] : memref<11760xf32, #tpu.memory_space<vmem>>[vector<16xi32>], vector<16xf32>,
    %sub3A_599 = arith.subf %gather3A_594, %gather3A_598 : vector<16xf32>
    %mul3A_600 = arith.mulf %sub3A_599, %sub3A_599 : vector<16xf32>
    %add3A_601 = arith.addf %add3A_590, %mul3A_600 : vector<16xf32>
    %mul3A_602 = arith.mulf %select_n3A_273, %add3A_601 : vector<16xf32>
    %reduce_sum3A_603 = arith.constant true
    %reduce_sum3A_604 = vector.broadcast %reduce_sum3A_603 : i1 to vector<16xi1>
    %reduce_sum3A_605 = tpu.scan <sum>, %mul3A_279 masked %reduce_sum3A_604 : vector<16xf32>, vector<16xi1> -> vector<16xf32>
    %reduce_sum3A_606 = vector.extract %reduce_sum3A_605[15] : f32 from vector<16xf32>
    %mul3A_607 = arith.constant 7.812500e-02 : f32
    %mul3A_608 = arith.mulf %reduce_sum3A_606, %mul3A_607 : f32
    %reduce_sum3A_609 = arith.constant true
    %reduce_sum3A_610 = vector.broadcast %reduce_sum3A_609 : i1 to vector<16xi1>
    %reduce_sum3A_611 = tpu.scan <sum>, %mul3A_375 masked %reduce_sum3A_610 : vector<16xf32>, vector<16xi1> -> vector<16xf32>
    %reduce_sum3A_612 = vector.extract %reduce_sum3A_611[15] : f32 from vector<16xf32>
    %mul3A_613 = arith.constant 7.812500e-02 : f32
    %mul3A_614 = arith.mulf %reduce_sum3A_612, %mul3A_613 : f32
    %reduce_sum3A_615 = arith.constant true
    %reduce_sum3A_616 = vector.broadcast %reduce_sum3A_615 : i1 to vector<16xi1>
    %reduce_sum3A_617 = tpu.scan <sum>, %mul3A_378 masked %reduce_sum3A_616 : vector<16xf32>, vector<16xi1> -> vector<16xf32>
    %reduce_sum3A_618 = vector.extract %reduce_sum3A_617[15] : f32 from vector<16xf32>
    %mul3A_619 = arith.constant 1.562500e-02 : f32
    %mul3A_620 = arith.mulf %reduce_sum3A_618, %mul3A_619 : f32
    %reduce_sum3A_621 = arith.constant true
    %reduce_sum3A_622 = vector.broadcast %reduce_sum3A_621 : i1 to vector<16xi1>
    %reduce_sum3A_623 = tpu.scan <sum>, %add3A_381 masked %reduce_sum3A_622 : vector<16xf32>, vector<16xi1> -> vector<16xf32>
    %reduce_sum3A_624 = vector.extract %reduce_sum3A_623[15] : f32 from vector<16xf32>
    %mul3A_625 = arith.constant 7.812500e-03 : f32
    %mul3A_626 = arith.mulf %reduce_sum3A_624, %mul3A_625 : f32
    %reduce_sum3A_627 = arith.constant true
    %reduce_sum3A_628 = vector.broadcast %reduce_sum3A_627 : i1 to vector<16xi1>
    %reduce_sum3A_629 = tpu.scan <sum>, %mul3A_602 masked %reduce_sum3A_628 : vector<16xf32>, vector<16xi1> -> vector<16xf32>
    %reduce_sum3A_630 = vector.extract %reduce_sum3A_629[15] : f32 from vector<16xf32>
    %mul3A_631 = arith.constant 1.562500e-02 : f32
    %mul3A_632 = arith.mulf %reduce_sum3A_630, %mul3A_631 : f32
    %add3A_633 = arith.addf %mul3A_608, %mul3A_614 : f32
    %add3A_634 = arith.addf %add3A_633, %mul3A_620 : f32
    %add3A_635 = arith.addf %add3A_634, %mul3A_626 : f32
    %add3A_636 = arith.addf %add3A_635, %mul3A_632 : f32
    %eq3A_637 = arith.constant 0 : i32
    %eq3A_638 = vector.broadcast %eq3A_637 : i32 to vector<16xi32>
    %eq3A_639 = arith.cmpi eq, %iota3A, %eq3A_638 : vector<16xi32>
    %select_n3A_640 = arith.select %eq3A_639, %broadcast_in_dim3A_8, %broadcast_in_dim3A_6 : vector<16xi1>, vector<16xf32>
    %mul3A_641 = vector.broadcast %add3A_636 : f32 to vector<16xf32>
    %mul3A_642 = arith.mulf %mul3A_641, %select_n3A_640 : vector<16xf32>
    %eq3A_643 = arith.constant 1 : i32
    %eq3A_644 = vector.broadcast %eq3A_643 : i32 to vector<16xi32>
    %eq3A_645 = arith.cmpi eq, %iota3A, %eq3A_644 : vector<16xi32>
    %select_n3A_646 = arith.select %eq3A_645, %broadcast_in_dim3A_8, %broadcast_in_dim3A_6 : vector<16xi1>, vector<16xf32>
    %mul3A_647 = vector.broadcast %mul3A_608 : f32 to vector<16xf32>
    %mul3A_648 = arith.mulf %mul3A_647, %select_n3A_646 : vector<16xf32>
    %add3A_649 = arith.addf %mul3A_642, %mul3A_648 : vector<16xf32>
    %eq3A_650 = arith.constant 2 : i32
    %eq3A_651 = vector.broadcast %eq3A_650 : i32 to vector<16xi32>
    %eq3A_652 = arith.cmpi eq, %iota3A, %eq3A_651 : vector<16xi32>
    %select_n3A_653 = arith.select %eq3A_652, %broadcast_in_dim3A_8, %broadcast_in_dim3A_6 : vector<16xi1>, vector<16xf32>
    %mul3A_654 = vector.broadcast %mul3A_614 : f32 to vector<16xf32>
    %mul3A_655 = arith.mulf %mul3A_654, %select_n3A_653 : vector<16xf32>
    %add3A_656 = arith.addf %add3A_649, %mul3A_655 : vector<16xf32>
    %eq3A_657 = arith.constant 3 : i32
    %eq3A_658 = vector.broadcast %eq3A_657 : i32 to vector<16xi32>
    %eq3A_659 = arith.cmpi eq, %iota3A, %eq3A_658 : vector<16xi32>
    %select_n3A_660 = arith.select %eq3A_659, %broadcast_in_dim3A_8, %broadcast_in_dim3A_6 : vector<16xi1>, vector<16xf32>
    %mul3A_661 = vector.broadcast %mul3A_620 : f32 to vector<16xf32>
    %mul3A_662 = arith.mulf %mul3A_661, %select_n3A_660 : vector<16xf32>
    %add3A_663 = arith.addf %add3A_656, %mul3A_662 : vector<16xf32>
    %eq3A_664 = arith.constant 4 : i32
    %eq3A_665 = vector.broadcast %eq3A_664 : i32 to vector<16xi32>
    %eq3A_666 = arith.cmpi eq, %iota3A, %eq3A_665 : vector<16xi32>
    %select_n3A_667 = arith.select %eq3A_666, %broadcast_in_dim3A_8, %broadcast_in_dim3A_6 : vector<16xi1>, vector<16xf32>
    %mul3A_668 = vector.broadcast %mul3A_626 : f32 to vector<16xf32>
    %mul3A_669 = arith.mulf %mul3A_668, %select_n3A_667 : vector<16xf32>
    %add3A_670 = arith.addf %add3A_663, %mul3A_669 : vector<16xf32>
    %eq3A_671 = arith.constant 5 : i32
    %eq3A_672 = vector.broadcast %eq3A_671 : i32 to vector<16xi32>
    %eq3A_673 = arith.cmpi eq, %iota3A, %eq3A_672 : vector<16xi32>
    %select_n3A_674 = arith.select %eq3A_673, %broadcast_in_dim3A_8, %broadcast_in_dim3A_6 : vector<16xi1>, vector<16xf32>
    %mul3A_675 = vector.broadcast %mul3A_632 : f32 to vector<16xf32>
    %mul3A_676 = arith.mulf %mul3A_675, %select_n3A_674 : vector<16xf32>
    %add3A_677 = arith.addf %add3A_670, %mul3A_676 : vector<16xf32>
    %swap3A_678 = arith.constant 0 : index
    %swap3A_679 = tpu.vector_load %arg7[%swap3A_678] {strides = array<i32>} : memref<16xf32, #tpu.memory_space<vmem>>, vector<16xf32>,
    tpu.vector_store %arg7[%swap3A_678], %add3A_677 {strides = array<i32>} : memref<16xf32, #tpu.memory_space<vmem>>, vector<16xf32>,
    "tpu.region"() ({
      %run_scoped3A = tpu.sem_alloc : memref<!tpu.dma_semaphore, #tpu.memory_space<semaphore_mem>>
      %dma_start3A_680 = arith.constant 0 : i32
      %dma_start3A_681 = tpu.memref_slice %arg4[%add3A, %dma_start3A_680] : memref<32x16xf32, #tpu.memory_space<hbm>> -> memref<1x16xf32, #tpu.memory_space<hbm>>
      %dma_start3A_682 = tpu.memref_squeeze %dma_start3A_681 : memref<1x16xf32, #tpu.memory_space<hbm>> -> memref<16xf32, #tpu.memory_space<hbm>>
      %dma_start3A_683 = arith.constant 0 : i32
      %dma_start3A_684 = tpu.memref_slice %arg4[%add3A, %dma_start3A_683] : memref<32x16xf32, #tpu.memory_space<hbm>> -> memref<1x16xf32, #tpu.memory_space<hbm>>
      %dma_start3A_685 = tpu.memref_squeeze %dma_start3A_684 : memref<1x16xf32, #tpu.memory_space<hbm>> -> memref<16xf32, #tpu.memory_space<hbm>>
      tpu.enqueue_dma source(%arg7 : memref<16xf32, #tpu.memory_space<vmem>>) target(%dma_start3A_685 : memref<16xf32, #tpu.memory_space<hbm>>) target_semaphore(%run_scoped3A : memref<!tpu.dma_semaphore, #tpu.memory_space<semaphore_mem>>)
      %dma_wait3A_686 = arith.constant 0 : i32
      %dma_wait3A_687 = tpu.memref_slice %arg4[%add3A, %dma_wait3A_686] : memref<32x16xf32, #tpu.memory_space<hbm>> -> memref<1x16xf32, #tpu.memory_space<hbm>>
      %dma_wait3A_688 = tpu.memref_squeeze %dma_wait3A_687 : memref<1x16xf32, #tpu.memory_space<hbm>> -> memref<16xf32, #tpu.memory_space<hbm>>
      %dma_wait3A_689 = arith.constant 0 : i32
      %dma_wait3A_690 = tpu.memref_slice %arg4[%add3A, %dma_wait3A_689] : memref<32x16xf32, #tpu.memory_space<hbm>> -> memref<1x16xf32, #tpu.memory_space<hbm>>
      %dma_wait3A_691 = tpu.memref_squeeze %dma_wait3A_690 : memref<1x16xf32, #tpu.memory_space<hbm>> -> memref<16xf32, #tpu.memory_space<hbm>>
      tpu.wait_dma2 semaphore(%run_scoped3A : memref<!tpu.dma_semaphore, #tpu.memory_space<semaphore_mem>>) src(%arg7 : memref<16xf32, #tpu.memory_space<vmem>>) dst(%dma_wait3A_691 : memref<16xf32, #tpu.memory_space<hbm>>)
      tpu.yield
    }) : () -> ()
    return
  }
}

</mosaic_0001>

<sc_bundles>
// kernel: kernel.3.cloned.1.call-start
scs
__scs_entry_jumppad:
0x0: {  	(pc) =	sbr.rel $0x88, $3  }
0x1: {  	(tag) =	ssettag $0x0;
	lr =	simm.s32 $0x1  }
0x2: {  	[smem:$0x3F9F] =	sst lr;
	_ =	strace $0xD0000000  }
0x3: {  	_ = 	snop  }
0x4: {  	_ = 	snop  }
0x5: {  	_ = 	snop  }
0x6: {  	_ = 	snop  }
0x7: {  	_ = 	snop  }
__scs_overlays_trampoline_lowered:
0x8: {  	[smem:$0x3FAE] =	sst s0  }
0x9: {  	[smem:$0x3FAF] =	sst s1  }
0xa: {  	[smem:$0x3FB0] =	sst s2  }
0xb: {  	[smem:$0x3FB1] =	sst s3  }
0xc: {  	[smem:$0x3FB2] =	sst s4  }
0xd: {  	[smem:$0x3FB3] =	sst s5  }
0xe: {  	[smem:$0x3FB4] =	sst s6  }
0xf: {  	[smem:$0x3FB5] =	sst s7  }
0x10: {  	[smem:$0x3FB6] =	sst s8  }
0x11: {  	[smem:$0x3FB7] =	sst s9;
	s0 =	simm.s32 @!p0 $0x0  }
0x12: {  	s1 =	sld [smem:$0x3F9D];
	s0 =	simm.s32 @p0 $0x1  }
0x13: {  	[smem:$0x3FB8] =	sst s0;
	s0 =	simm.s32 @!p1 $0x0  }
0x14: {  	s2 =	sld [smem:$0x3F9C];
	s0 =	simm.s32 @p1 $0x1  }
0x15: {  	[smem:$0x3FB9] =	sst s0;
	s0 =	simm.s32 @!p2 $0x0  }
0x16: {  	s3 =	sld [smem:$0x3FDB];
	s0 =	simm.s32 @p2 $0x1  }
0x17: {  	s4 =	simm.s32 $0x1BF5;
	[smem:$0x3FBB] =	sst s0  }
0x18: {  	s0 =	sld [smem:$0x3F9E];
	_ =	swait.ge [sflag:s4], $0x0  }
0x19: {  	s7 =	sld [smem:$0x3F9F]  }
0x1a: {  	s8 =	sadd.s32 $0xFFFFE003, lr  }
0x1b: {  	s9 =	sadd.s32 $0xFFFFFEF7, lr;
	s5 =	simm.s32 $0xFFFFFFFF;
	p2 =	slt.u32 s8, $0xFFFFF086  }
0x1c: {  	p1 =	slt.u32 s9, $0xF7A;
	s5 =	simm.s32 @!p2 $0x0  }
0x1d: {  	s5 =	simm.s32 @p1 $0x1;
	p0 =	seq.s32 s7, s2  }
0x1e: {  	s7 =	smul.u32 @!p0 $0xF7A, s2;
	p2 =	seq.s32 @!p0 s5, $0x0  }
0x1f: {  	s9 =	smul.u32 $0xF7A, s1;
	s8 =	simm.s32 @!p0 $0x1BF5;
	p2 =	por !p2, p0  }
0x20: {  	[sflag:s8] =	ssyncset.s32 @!p0 $0xFFFFF086;
	s6 =	sadd.s32 @!p0 s3, s7;
	s7 =	simm.s32 @!p0 $0x108  }
0x21: {  	s3 =	sadd.s32 s3, s9;
	s6 =	sadd.s32 @!p0 $0x88, s6;
	s7 =	simm.s32 @p2 $0x1082  }
0x22: {  	[simem:s7], [sflag:s8] =	dma.local @!p0 [hbm:s6], $0xF7A  }
0x23: {  	s9 =	sor.u32 $0xD0000000, s2;
	s6 =	simm.s32 $0x108;
	_ =	swait.ge @!p0 [sflag:s8], $0x0  }
0x24: {  	s3 =	sadd.s32 $0x88, s3;
	s6 =	simm.s32 @!p1 $0x1082;
	[sflag:s4] =	ssyncset.s32 $0xFFFFF086  }
0x25: {  	[simem:s6], [sflag:s4] =	dma.local [hbm:s3], $0xF7A  }
0x26: {  	[smem:$0x3F9F] =	sst s1;
	(tag) =	ssettag s2;
	_ =	strace s9  }
0x27: {  	s1 =	sld [smem:$0x3FAF]  }
0x28: {  	s2 =	sld [smem:$0x3FB0]  }
0x29: {  	s4 =	sld [smem:$0x3FB2]  }
0x2a: {  	p0 =	seq.s32 s5, $0x0;
	s5 =	sld [smem:$0x3FB3]  }
0x2b: {  	s6 =	sld [smem:$0x3FB4]  }
0x2c: {  	s7 =	sld [smem:$0x3FB5]  }
0x2d: {  	s3 =	simm.s32 $0x108;
	s8 =	sld [smem:$0x3FB6]  }
0x2e: {  	s3 =	simm.s32 @!p0 $0x1082;
	s9 =	sld [smem:$0x3FB7]  }
0x2f: {  	lr =	sadd.s32 s0, s3;
	s0 =	sld [smem:$0x3FAE]  }
0x30: {  	s3 =	sld [smem:$0x3FB1]  }
0x31: {  	[smem:$0x3FBA] =	sst s10  }
0x32: {  	s10 =	sld [smem:$0x3FB8];
	_ =	sdelay $0x3  }
0x33: {  	p0 =	seq.s32 s10, $0x1;
	s10 =	sld [smem:$0x3FBA];
	_ =	sdelay $0x3  }
0x34: {  	[smem:$0x3FBA] =	sst s10  }
0x35: {  	s10 =	sld [smem:$0x3FB9];
	_ =	sdelay $0x3  }
0x36: {  	p1 =	seq.s32 s10, $0x1;
	s10 =	sld [smem:$0x3FBA];
	_ =	sdelay $0x3  }
0x37: {  	[smem:$0x3FBA] =	sst s10  }
0x38: {  	s10 =	sld [smem:$0x3FBB]  }
0x39: {  	_ = 	snop;
	(pc) =	sbr.ind lr, $3  }
0x3a: {  	_ = 	snop  }
0x3b: {  	_ = 	snop  }
0x3c: {  	p2 =	seq.s32 s10, $0x1;
	s10 =	sld [smem:$0x3FBA]  }
0x3d: {  	_ =	shalt  }
0x3e: {  	_ =	shalt  }
0x3f: {  	_ =	shalt  }
0x40: {  	_ =	shalt  }
0x41: {  	_ =	shalt  }
0x42: {  	_ =	shalt  }
0x43: {  	_ =	shalt  }
0x44: {  	_ =	shalt  }
0x45: {  	_ =	shalt  }
0x46: {  	_ =	shalt  }
0x47: {  	_ =	shalt  }
0x48: {  	_ =	shalt  }
0x49: {  	_ =	shalt  }
0x4a: {  	_ =	shalt  }
0x4b: {  	_ =	shalt  }
0x4c: {  	_ =	shalt  }
0x4d: {  	_ =	shalt  }
0x4e: {  	_ =	shalt  }
0x4f: {  	_ =	shalt  }
0x50: {  	_ =	shalt  }
0x51: {  	_ =	shalt  }
0x52: {  	_ =	shalt  }
0x53: {  	_ =	shalt  }
0x54: {  	_ =	shalt  }
0x55: {  	_ =	shalt  }
0x56: {  	_ =	shalt  }
0x57: {  	_ =	shalt  }
0x58: {  	_ =	shalt  }
0x59: {  	_ =	shalt  }
0x5a: {  	_ =	shalt  }
0x5b: {  	_ =	shalt  }
0x5c: {  	_ =	shalt  }
0x5d: {  	_ =	shalt  }
0x5e: {  	_ =	shalt  }
0x5f: {  	_ =	shalt  }
0x60: {  	_ =	shalt  }
0x61: {  	_ =	shalt  }
0x62: {  	_ =	shalt  }
0x63: {  	_ =	shalt  }
0x64: {  	_ =	shalt  }
0x65: {  	_ =	shalt  }
0x66: {  	_ =	shalt  }
0x67: {  	_ =	shalt  }
0x68: {  	_ =	shalt  }
0x69: {  	_ =	shalt  }
0x6a: {  	_ =	shalt  }
0x6b: {  	_ =	shalt  }
0x6c: {  	_ =	shalt  }
0x6d: {  	_ =	shalt  }
0x6e: {  	_ =	shalt  }
0x6f: {  	_ =	shalt  }
0x70: {  	_ =	shalt  }
0x71: {  	_ =	shalt  }
0x72: {  	_ =	shalt  }
0x73: {  	_ =	shalt  }
0x74: {  	_ =	shalt  }
0x75: {  	_ =	shalt  }
0x76: {  	_ =	shalt  }
0x77: {  	_ =	shalt  }
0x78: {  	_ =	shalt  }
0x79: {  	_ =	shalt  }
0x7a: {  	_ =	shalt  }
0x7b: {  	_ =	shalt  }
0x7c: {  	_ =	shalt  }
0x7d: {  	_ =	shalt  }
0x7e: {  	_ =	shalt  }
0x7f: {  	_ =	shalt  }
0x80: {  	_ =	shalt  }
0x81: {  	_ =	shalt  }
0x82: {  	_ =	shalt  }
0x83: {  	_ =	shalt  }
0x84: {  	_ =	shalt  }
0x85: {  	_ =	shalt  }
0x86: {  	_ =	shalt  }
0x87: {  	_ =	shalt  }
.Lfunc_end0:
.L_simem_size_0:
called_computation_lowered:
.L_overlay_start_0:
0x88: {  	s2 =	sld [smem:$0x3FD9]  }
0x89: {  	s3 =	sld [smem:$0x3FFE];
	_ =	sdelay $0x1  }
0x8a: {  	s1 =	srdreg.scid  }
0x8b: {  	s0 =	sand.u32 $0x1, s1  }
0x8c: {  	s16 =	sshll.u32 s0, $0xA;
	s2 =	sadd.s32 s3, s2  }
0x8d: {  	s2 =	sadd.s32 s2, s16  }
0x8e: {  	[smem:$0x3FC6] =	sst s2  }
0x8f: {  	_ = 	snop  }
0x90: {  	(tm) =	ssettm $0x1  }
0x91: {  	s17 =	sld [smem:$0x3FFB];
	_ =	sdelay $0x3  }
0x92: {  	_ =	strace s17  }
0x93: {  	s2 =	sld [smem:$0x3FFC];
	_ =	sdelay $0x3  }
0x94: {  	_ =	strace s2  }
0x95: {  	s2 =	sld [smem:$0x3FFD];
	_ =	sdelay $0x3  }
0x96: {  	_ =	strace s2  }
0x97: {  	_ =	strace $0x8FFFFFFF  }
0x98: {  	s18 =	sld [smem:$0x3FDB];
	_ =	sdelay $0x1  }
0x99: {  	s19 =	simm.s32 $_scs_section_size  }
0x9a: {  	s4 =	simm.s32 $_size__tile_overlayer_lowered;
	s5 =	simm.s32 $_tile_overlayer_lowered  }
0x9b: {  	s22 =	simm.s32 $0x1BFF;
	s21 =	sshll.u32 s5, $0x1;
	s2 =	sadd.s32 s19, s18  }
0x9c: {  	s6 =	simm.s32 $0x0;
	s20 =	sshll.u32 s4, $0x1;
	s4 =	sadd.s32 s21, s2  }
0x9d: {  	[timem:s6], [sflag:s22] =	dma.local [hbm:s4], s20  }
0x9e: {  	_ =	swait.ge [sflag:s22], s20  }
0x9f: {  	s3 =	ssub.s32 $0x0, s20;
	[sflag:s22] =	ssyncset.done $0x0  }
0xa0: {  	[sflag:s22] =	ssyncadd.s32 s3;
	_ =	sdelay $0x1  }
0xa1: {  	s23 =	simm.s32 $0x1B8B  }
0xa2: {  	_ =	swait.ge [sflag:s23], $0x1  }
0xa3: {  	[sflag:s23] =	ssyncset.done $0x0  }
0xa4: {  	s25 =	simm.s32 $0x1B8E;
	s24 =	sld [smem:$0x3FFE];
	[sflag:s23] =	ssyncadd.s32 $0xFFFFFFFF  }
0xa5: {  	s26 =	simm.s32 $execute0_lowered;
	[smem:$0x3FD2] =	sst s25  }
0xa6: {  	s4 =	sshll.u32 s26, $0x1;
	_ =	strace $0x80000046;
	[dreg:$0x1] =	wrdreg $0xFFFFFFFF  }
0xa7: {  	s28 =	simm.s32 $_size_execute0_lowered;
	s2 =	sadd.s32 s2, s4;
	[dreg:$0x0] =	wrdreg $0x0  }
0xa8: {  	s4 =	sshll.u32 s28, $0x1;
	[dreg:$0x2] =	wrdreg s2  }
0xa9: {  	[dreg:$0x3] =	wrdreg s4  }
0xaa: {  	[dreg:$0x4] =	wrdreg $0xC0  }
0xab: {  	_ =	task [dreg:s6], $0x5FFFF  }
0xac: {  	[dreg:$0x1] =	wrdreg $0xFFFFFFFF  }
0xad: {  	[dreg:$0x0] =	wrdreg $0x60  }
0xae: {  	[dreg:$0x2] =	wrdreg s24  }
0xaf: {  	[dreg:$0x3] =	wrdreg $0x9  }
0xb0: {  	_ =	task.clear_ibuf [dreg:s6], $0x4FFFF;
	_ =	strace $0x90000046  }
0xb1: {  	s29 =	simm.s32 $0x9;
	_ =	strace $0x80000048  }
0xb2: {  	_ =	swait.ge [sflag:s29], $0x1  }
0xb3: {  	[sflag:s29] =	ssyncadd.s32 $0xFFFFFFFF  }
0xb4: {  	_ =	strace $0x90000048  }
0xb5: {  	_ =	sfence  }
0xb6: {  	s30 =	sld [smem:$0x0];
	_ =	sdelay $0x2  }
0xb7: {  	s31 =	sshll.u32 s1, $0xD;
	s1 =	sshrl.u32 s1, $0x2  }
0xb8: {  	s3 =	sand.u32 $0x4000, s31;
	s1 =	sadd.s32 s1, s30  }
0xb9: {  	s0 =	sor.u32 s3, s0;
	s1 =	sshll.u32 s1, $0x11  }
0xba: {  	s0 =	sor.u32 s1, s0  }
0xbb: {  	s0 =	sadd.s32 $0x8F2B, s0  }
0xbc: {  	[sflag:s0] =	ssyncadd.remote.s32 $0x1  }
0xbd: {  	_ =	sfence.sel $0xFFFF  }
0xbe: {  	[dreg:$0x0] =	wrdreg $0xFFFFFFFF;
	(pc) =	sbr.abs _section_cstart, $3  }
0xbf: {  	[dreg:$0x1] =	wrdreg $0xFFFFFFFF  }
0xc0: {  	_ =	task.clear_ibuf [dreg:s6], $0x2FFFF;
	_ =	strace $0x9FFFFFFF  }
0xc1: {  	(tm) =	ssettm $0x7FFFFFFF  }
tec
execute0_lowered:
.L_overlay_start_1:
0x0: {  	(tag) =	ssettag $0x1  }
0x1: {  	s2 =	simm.s32 $0x0;
	v0 =	vlaneseq.u32;
	v2 =	vimm.f32 $1.400000000e+01;
	v6 =	vimm.s32 $0xECA86420  }
0x2: {  	s0 =	srdreg.scid;
	v5 =	vimm.f32 $0.0e+00;
	vm0 =	vcmask $0xB08;
	vm1 =	vcmask $0x1310;
	[smem:$0x7FF] =	sst s2  }
0x3: {  	s4 =	rddreg [dreg:$0x0];
	vm3 =	vcmask $0x300;
	vm4 =	vmmov $0xff;
	v8 =	vimm.s32 $0x0;
	s3 =	sand.u32 $0x1, s0;
	_ =	strace $0x80000047  }
0x4: {  	s25 =	stileid.u32;
	vm9 =	vcmask $0x704;
	vm10 =	vcmask $0xF0C;
	s5 =	sshll.u32 s3, $0x4;
	(erf) = vrcp.f32 v2  }
0x5: {  	vm8 =	vcmask $0x1310;
	vm11 =	vcmask $0xF0C;
	vm5 =	vcmask $0x2320;
	s5 =	sor.u32 s25, s5  }
0x6: {  	vm6 =	vcmask $0x2B28;
	vm7 =	vcmask $0x3330;
	vm15 =	vcmask $0x2F2C;
	s7 =	sshll.u32 s25, $0x4;
	s3 =	ssub.s32 $0x2, s3;
	s6 =	smul.u32 $0x188, s5  }
0x7: {  	v4 =	vmul.u32 $0x1E, v0;
	v6 =	vunpack.c.l.s4.s8 v6;
	v7 =	vmul.u32 $0x2, v0;
	s7 =	sand.u32 $0x70, s7;
	s8 =	sshrl.u32 s3, $0x1;
	s26 =	smul.u32 $0x5BE, s5  }
0x8: {  	v8 =	vsel vm4, $0xFFFFFFFF, v8;
	vm4 =	vcmask $0x1714;
	v9 =	vsel vm9, $0x3F800000, v5;
	s7 =	sadd.s32 s7, s4;
	s8 =	ssub.s32 s3, s8  }
0x9: {  	v10 =	vsel vm0, $0x3F800000, v5;
	v12 =	vsel vm10, $0x3F800000, v5;
	s5 =	sshll.u32 s5, $0x4;
	s31 =	smax.u32 s8, $0x1;
	v1 =	vmov s6;
	s6 =	sadd.s32 s26, s4  }
0xa: {  	v13 =	vsel vm1, $0x3F800000, v5;
	vm1 =	vcmask $0xB08;
	vm10 =	vcmask $0x704;
	s5 =	sand.u32 $0x180, s5;
	[dreg:$0x5] =	wrdreg s31;
	s28 =	sadd.s32 $0xBA00, s6  }
0xb: {  	vm9 =	vcmask $0x3734;
	[tilespmem:$0x1FFF0] =	vst v8;
	v8 =	vsel vm3, $0x3F800000, v5;
	v14 =	vsel vm4, $0x3F800000, v5;
	s5 =	sadd.s32 s5, s7;
	s29 =	sadd.s32 $0x200, s6;
	[dreg:$0x2] =	wrdreg s28  }
0xc: {  	s10 =	simm.s32 $0x5C80;
	vm4 =	vcmask $0x1714;
	vm3 =	vcmask $0x3B38;
	v2 =	vimm.s32 $0x0;
	s30 =	sadd.s32 $0x17200, s5;
	[dreg:$0x3] =	wrdreg s29  }
0xd: {  	s13 =	simm.s32 $0x0;
	v3 =	vadd.s32 $0x4, v4;
	v4 =	vadd.s32 $0x9, v4;
	v6 =	vunpack.c.0.s8.s32 v6;
	s7 =	simm.s32 $0x2E00;
	[dreg:$0x4] =	wrdreg s30;
	v11 =	vpop (erf)  }
.LBB2_1:
0xe: {  	s0 =	rddreg [dreg:$0x2]  }
0xf: {  	[tilespmem:s7], [sflag:$0x2] =	stream.linear.gather [hbm4b:s0+s2], $0x2DF0, $0x38;
	[tilespmem:$0x5D00] =	vst v63  }
0x10: {  	s29 =	rddreg [dreg:$0x3]  }
0x11: {  	[tilespmem:s2], [sflag:$0x1] =	stream.linear.gather [hbm4b:s29+s2], $0x2DF0, $0x38;
	[tilespmem:$0x5D00] =	vst v63  }
0x12: {  	s30 =	simm.s32 $0x2;
	[tilespmem:$0x5C80] =	vst v2  }
0x13: {  	_ =	swait.ge [sflag:s30], $0x2DF0  }
0x14: {  	[sflag:s30] =	ssyncset.done $0x0  }
0x15: {  	s31 =	simm.s32 $0x1;
	[sflag:s30] =	ssyncadd.s32 $0xFFFFD210  }
0x16: {  	_ =	swait.ge [sflag:s31], $0x2DF0  }
0x17: {  	[sflag:s31] =	ssyncset.done $0x0  }
0x18: {  	[sflag:s31] =	ssyncadd.s32 $0xFFFFD210  }
0x19: {  	v15 =	vld.idx.msk [tilespmem:v3+s7+$0x0], $0xffff;
	_ =	sdelay $0x4  }
0x1a: {  	vm12 =	veq.f32 v15, $1.000000000e+00  }
0x1b: {  	v16 =	vsel vm12, $0x1, v2  }
0x1c: {  	(xrf0) =	vadd.scan.msk.s32 $0xffff, v16;
	_ =	sdelay $0x1  }
0x1d: {  	s14 =	simm.s32 $0x10  }
0x1e: {  	v20 =	vor.u32 s14, v0  }
0x1f: {  	vm13 =	vlt.s32 v20, $0x187  }
0x20: {  	v17 =	vnsel vm13, $0x187, v20  }
0x21: {  	v19 =	vmul.u32 $0x1E, v17;
	v16, _, _ =	vpop (xrf0)  }
0x22: {  	(v2sf) =	vpush v16, $0xF;
	v16 =	vadd.s32 $0xFFFFFFFF, v16  }
0x23: {  	v18 =	vadd.s32 $0x4, v19;
	_ =	sdelay $0x1  }
0x24: {  	v21 =	vld.idx.msk [tilespmem:v3+s2+$0x0], $0xffff  }
0x25: {  	v22 =	vld.idx.msk [tilespmem:v4+s2+$0x0], $0xffff  }
0x26: {  	[tilespmem:v16+s10+$0x0] =	vst.idx.msk vm12, v0  }
0x27: {  	v16 =	vld.idx.msk [tilespmem:v18+s7+$0x0], $0xffff;
	_ =	sdelay $0x2  }
0x28: {  	v21 =	vmul.f32 v21, v21;
	v22 =	vmul.f32 v22, v22  }
0x29: {  	vm13 =	vlt.u32 v20, $0x188;
	vm12 =	veq.f32 v15, $0.0e+00  }
0x2a: {  	v15 =	vadd.f32 v22, v21;
	v21 =	vsel vm12, $0x3F800000, v5;
	vm12 =	veq.f32 v16, $1.000000000e+00  }
0x2b: {  	vm12 =	vmand vm13, vm12  }
0x2c: {  	v20 =	vsel vm12, $0x1, v2  }
0x2d: {  	(xrf0) =	vadd.scan.msk.s32 $0xffff, v20  }
0x2e: {  	vm14 =	veq.f32 v16, $0.0e+00;
	s14 =	spop (v2sf)  }
0x2f: {  	s15 =	simm.s32 $0x20;
	v15 =	vmul.f32 v15, v21;
	vm13 =	vmand vm13, vm14;
	v21 =	vmov s14  }
0x30: {  	v22 =	vor.u32 s15, v0;
	s15 =	simm.s32 $0x30;
	v16 =	vsel vm13, $0x3F800000, v5;
	v20 =	vadd.s32 $0xFFFFFFFF, v21  }
.LBB2_2:
0x31: {  	p0 =	sne.s32 s15, $0x180;
	vm13 =	vlt.s32 v22, $0x187;
	v20 =	vbroadcast v20, $0x0  }
0x32: {  	v21 =	vnsel vm13, $0x187, v22  }
0x33: {  	v23 =	vmul.u32 $0x1E, v21;
	v24, _, _ =	vpop (xrf0)  }
0x34: {  	v25 =	vadd.s32 $0x9, v19;
	v20 =	vadd.s32 v24, v20;
	(v2sf) =	vpush v24, $0xF  }
0x35: {  	v24 =	vadd.s32 $0x4, v23;
	v19 =	vmov v23;
	_ =	sdelay $0x2  }
0x36: {  	v23 =	vld.idx.msk [tilespmem:v18+s2+$0x0], $0xffff;
	v18 =	vmov v24  }
0x37: {  	v25 =	vld.idx.msk [tilespmem:v25+s2+$0x0], $0xffff;
	[tilespmem:v20+s10+$0x0] =	vst.idx.msk vm12, v17;
	v17 =	vmov v21  }
0x38: {  	v20 =	vld.idx.msk [tilespmem:v24+s7+$0x0], $0xffff;
	_ =	sdelay $0x3  }
0x39: {  	v21 =	vmul.f32 v23, v23  }
0x3a: {  	v23 =	vmul.f32 v25, v25  }
0x3b: {  	vm13 =	vlt.u32 v22, $0x188;
	vm12 =	veq.f32 v20, $1.000000000e+00;
	vm14 =	veq.f32 v20, $0.0e+00  }
0x3c: {  	vm12 =	vmand vm13, vm12;
	vm13 =	vmand vm13, vm14;
	v20 =	vadd.f32 v23, v21  }
.Ltmp0:
0x3d: {  	v21 =	vsel vm13, $0x3F800000, v5;
	v22 =	vsel vm12, $0x1, v2;
	(pc) =	sbr.rel @p0 .LBB2_2-.Ltmp0, $4  }
0x3e: {  	v20 =	vmul.f32 v20, v16;
	v16 =	vmov v21;
	(xrf0) =	vadd.scan.msk.s32 $0xffff, v22;
	s16 =	spop (v2sf)  }
0x3f: {  	s14 =	sadd.s32 s14, s16  }
0x40: {  	v15 =	vadd.f32 v20, v15;
	v21 =	vmov s14  }
0x41: {  	v22 =	vor.u32 s15, v0;
	s15 =	sadd.s32 $0x10, s15;
	v20 =	vadd.s32 $0xFFFFFFFF, v21  }
0x42: {  	vm13 =	vlt.s32 v22, $0x187  }
0x43: {  	v20 =	vbroadcast v20, $0x0;
	v23 =	vnsel vm13, $0x187, v22  }
0x44: {  	v24 =	vmul.u32 $0x1E, v23;
	v21, _, _ =	vpop (xrf0)  }
0x45: {  	v19 =	vadd.s32 $0x9, v19;
	v20 =	vadd.s32 v21, v20;
	(v2sf) =	vpush v21, $0xF  }
0x46: {  	v25 =	vadd.s32 $0x4, v24;
	_ =	sdelay $0x2  }
0x47: {  	v21 =	vld.idx.msk [tilespmem:v18+s2+$0x0], $0xffff  }
0x48: {  	v19 =	vld.idx.msk [tilespmem:v19+s2+$0x0], $0xffff;
	[tilespmem:v20+s10+$0x0] =	vst.idx.msk vm12, v17  }
0x49: {  	v20 =	vld.idx.msk [tilespmem:v25+s7+$0x0], $0xffff;
	_ =	sdelay $0x4  }
0x4a: {  	vm0 =	vlt.u32 v22, $0x188;
	vm13 =	veq.f32 v20, $1.000000000e+00  }
0x4b: {  	vm13 =	vmand vm0, vm13  }
0x4c: {  	v35 =	vsel vm13, $0x1, v2  }
0x4d: {  	(xrf0) =	vadd.scan.msk.s32 $0xffff, v35  }
0x4e: {  	s15 =	spop (v2sf)  }
0x4f: {  	v34 =	vimm.s32 $0x0;
	s14 =	sadd.s32 s14, s15  }
0x50: {  	v17 =	vsel vm0, $0xFFFFFFFF, v34;
	v36 =	vmov s14  }
0x51: {  	[tilespmem:$0x1FFE0] =	vst v17;
	v17 =	vadd.s32 $0xFFFFFFFF, v36  }
0x52: {  	v17 =	vbroadcast v17, $0x0  }
0x53: {  	v26, _, _ =	vpop (xrf0)  }
0x54: {  	v37 =	vadd.s32 $0x9, v24;
	v38 =	vadd.s32 v26, v17;
	_ =	sdelay $0x3  }
0x55: {  	v18 =	vld.idx.msk [tilespmem:v25+s2+$0x0], $0xffff  }
0x56: {  	v17 =	vld.idx.msk [tilespmem:v37+s2+$0x0], $0xffff;
	[tilespmem:v38+s10+$0x0] =	vst.idx.msk vm13, v23  }
0x57: {  	v39 =	vld [tilespmem:$0x5C80];
	_ =	sdelay $0x4  }
0x58: {  	(v2sf) =	vpush v26, $0xF;
	v40 =	vadd.s32 v1, v39  }
0x59: {  	(v2sf) =	vpush v40, $0xD;
	_ =	sdelay $0x1  }
0x5a: {  	(v2sf) =	vpush v40, $0xC;
	_ =	sdelay $0x1  }
0x5b: {  	(v2sf) =	vpush v40, $0xE;
	_ =	sdelay $0x1  }
0x5c: {  	(v2sf) =	vpush v40, $0xF;
	_ =	sdelay $0x1  }
0x5d: {  	(v2sf) =	vpush v40, $0x9;
	_ =	sdelay $0x1  }
0x5e: {  	(v2sf) =	vpush v40, $0x8;
	_ =	sdelay $0x1  }
0x5f: {  	(v2sf) =	vpush v40, $0xA;
	_ =	sdelay $0x1  }
0x60: {  	s15 =	spop (v2sf);
	(v2sf) =	vpush v40, $0xB  }
0x61: {  	s16 =	spop (v2sf)  }
0x62: {  	(v2sf) =	vpush v40, $0x0;
	s17 =	smulhi.u32 $0x5397829D, s16;
	s16 =	sshra.s32 s16, $0x1F  }
0x63: {  	s18 =	spop (v2sf);
	s16 =	smul.u32 $0x5397829D, s16  }
0x64: {  	(v2sf) =	vpush v40, $0x1;
	s19 =	smulhi.u32 $0x5397829D, s18;
	s18 =	sshra.s32 s18, $0x1F  }
0x65: {  	s20 =	spop (v2sf);
	s18 =	smul.u32 $0x5397829D, s18  }
0x66: {  	(v2sf) =	vpush v40, $0x2;
	s21 =	smulhi.u32 $0x5397829D, s20;
	s20 =	sshra.s32 s20, $0x1F  }
0x67: {  	(v2sf) =	vpush v40, $0x3;
	s22 =	spop (v2sf);
	s20 =	smul.u32 $0x5397829D, s20  }
0x68: {  	(v2sf) =	vpush v40, $0x4;
	s23 =	smulhi.u32 $0x5397829D, s22;
	s22 =	sshra.s32 s22, $0x1F  }
0x69: {  	s24 =	spop (v2sf);
	(v2sf) =	vpush v40, $0x5;
	s22 =	smul.u32 $0x5397829D, s22  }
0x6a: {  	s25 =	smulhi.u32 $0x5397829D, s24;
	s24 =	sshra.s32 s24, $0x1F;
	(v2sf) =	vpush v40, $0x6  }
0x6b: {  	s26 =	spop (v2sf);
	s24 =	smul.u32 $0x5397829D, s24;
	(v2sf) =	vpush v40, $0x7  }
0x6c: {  	s28 =	smulhi.u32 $0x5397829D, s26;
	s26 =	sshra.s32 s26, $0x1F  }
0x6d: {  	s29 =	spop (v2sf);
	s26 =	smul.u32 $0x5397829D, s26  }
0x6e: {  	s31 =	smulhi.u32 $0x5397829D, s29;
	s29 =	sshra.s32 s29, $0x1F  }
0x6f: {  	s16 =	sadd.s32 s16, s17;
	s30 =	spop (v2sf);
	s29 =	smul.u32 $0x5397829D, s29  }
0x70: {  	s19 =	sadd.s32 s18, s19;
	s1 =	smulhi.u32 $0x5397829D, s30;
	s18 =	sshra.s32 s30, $0x1F  }
0x71: {  	s11 =	sshrl.u32 s19, $0x1F;
	s0 =	spop (v2sf);
	s3 =	smul.u32 $0x5397829D, s18  }
0x72: {  	s17 =	sadd.s32 s20, s21;
	s4 =	smulhi.u32 $0x5397829D, s0;
	s0 =	sshra.s32 s0, $0x1F  }
0x73: {  	s5 =	sshrl.u32 s17, $0x1F;
	s0 =	smul.u32 $0x5397829D, s0;
	s21 =	spop (v2sf)  }
0x74: {  	s18 =	sadd.s32 s22, s23;
	s22 =	smulhi.u32 $0x5397829D, s21;
	s6 =	sshra.s32 s21, $0x1F  }
0x75: {  	s20 =	sadd.s32 s24, s25;
	s8 =	spop (v2sf);
	s25 =	smul.u32 $0x5397829D, s6  }
0x76: {  	s6 =	smulhi.u32 $0x5397829D, s8;
	s21 =	sshra.s32 s8, $0x1F;
	s9 =	spop (v2sf)  }
0x77: {  	s24 =	sadd.s32 s26, s28;
	s26 =	smul.u32 $0x5397829D, s21;
	s28 =	spop (v2sf)  }
0x78: {  	s8 =	smulhi.u32 $0x5397829D, s9;
	s12 =	sshra.s32 s9, $0x1F;
	s9 =	spop (v2sf)  }
0x79: {  	s23 =	sadd.s32 s29, s31;
	s29 =	smul.u32 $0x5397829D, s12;
	s31 =	spop (v2sf)  }
0x7a: {  	s21 =	sadd.s32 s3, s1;
	s1 =	smulhi.u32 $0x5397829D, s28;
	s12 =	spop (v2sf)  }
0x7b: {  	s0 =	sadd.s32 s0, s4;
	s4 =	smulhi.u32 $0x5397829D, s12;
	s3 =	sshra.s32 s12, $0x1F  }
0x7c: {  	v42 =	vmov s11;
	s30 =	sshrl.u32 s16, $0x1F;
	s11 =	sshrl.u32 s0, $0x1F;
	s3 =	smul.u32 $0x5397829D, s3  }
0x7d: {  	v25 =	vsel vm1, s30, v42;
	v43 =	vmov s11;
	s25 =	sadd.s32 s25, s22;
	s11 =	smulhi.u32 $0x5397829D, s9;
	s9 =	sshra.s32 s9, $0x1F  }
0x7e: {  	v25 =	vsel vm8, s5, v25;
	s6 =	sadd.s32 s26, s6;
	s5 =	smul.u32 $0x5397829D, s9;
	s22 =	sadd.s32 s3, s4  }
0x7f: {  	s12 =	sshra.s32 s28, $0x1F;
	s4 =	sadd.s32 s29, s8;
	s29 =	sshra.s32 s22, $0x1F  }
0x80: {  	vm12 =	vcmask $0x300;
	s30 =	sshra.s32 s25, $0x6;
	s26 =	smul.u32 $0x5397829D, s12;
	v41 =	vmov s29;
	s29 =	sshra.s32 s0, $0x6  }
0x81: {  	s28 =	sshrl.u32 s18, $0x1F;
	s12 =	sshrl.u32 s20, $0x1F;
	s0 =	sshra.s32 s0, $0x1F;
	v24 =	vsel vm12, s29, v41  }
0x82: {  	vm14 =	vcmask $0x2724;
	vm0 =	vcmask $0x1B18;
	s3 =	sshrl.u32 s24, $0x1F;
	s1 =	sadd.s32 s26, s1;
	s26 =	sshrl.u32 s23, $0x1F;
	v24 =	vsel vm10, s0, v24  }
0x83: {  	vm13 =	vcmask $0x1F1C;
	v26 =	vnsel vm12, $0x0, v43;
	s8 =	sshrl.u32 s21, $0x1F;
	s29 =	sshrl.u32 s25, $0x1F;
	s25 =	sshra.s32 s25, $0x1F;
	v24 =	vsel vm1, s30, v24  }
0x84: {  	v27 =	vmov s3;
	v26 =	vsel vm1, s29, v26;
	s29 =	smulhi.u32 $0x5397829D, s31;
	s30 =	sshra.s32 s31, $0x1F;
	s31 =	sshra.s32 s6, $0x6;
	v24 =	vsel vm11, s25, v24  }
0x85: {  	v25 =	vsel vm0, s28, v25;
	s3 =	sshrl.u32 s4, $0x1F;
	v27 =	vsel vm1, s12, v27;
	s0 =	sshrl.u32 s6, $0x1F;
	s6 =	sshra.s32 s6, $0x1F;
	v24 =	vsel vm8, s31, v24  }
0x86: {  	s12 =	sshra.s32 s4, $0x6;
	v27 =	vsel vm8, s26, v27;
	v26 =	vsel vm8, s0, v26;
	s0 =	sadd.s32 s5, s11;
	s9 =	smul.u32 $0x5397829D, s30;
	v24 =	vsel vm4, s6, v24  }
0x87: {  	s4 =	sshra.s32 s4, $0x1F;
	v27 =	vsel vm0, s8, v27;
	s11 =	sshrl.u32 s1, $0x1F;
	v26 =	vsel vm0, s3, v26;
	s26 =	sshrl.u32 s0, $0x1F;
	v24 =	vsel vm0, s12, v24  }
0x88: {  	v25 =	vcombine.low v27, v25;
	s30 =	sshra.s32 s19, $0x6;
	v26 =	vsel vm5, s11, v26;
	s3 =	sadd.s32 s9, s29;
	s29 =	sshra.s32 s1, $0x6;
	v24 =	vsel vm13, s4, v24  }
0x89: {  	s8 =	sshra.s32 s16, $0x6;
	s31 =	sshra.s32 s24, $0x6;
	v44 =	vmov s30;
	v26 =	vsel vm6, s26, v26;
	s1 =	sshra.s32 s1, $0x1F;
	v24 =	vsel vm5, s29, v24  }
0x8a: {  	s11 =	sshra.s32 s0, $0x6;
	s9 =	sshra.s32 s20, $0x6;
	v28 =	vmov s31;
	v27 =	vsel vm1, s8, v44;
	s28 =	sshrl.u32 s3, $0x1F;
	v24 =	vsel vm14, s1, v24  }
0x8b: {  	s16 =	sshra.s32 s23, $0x6;
	s0 =	sshra.s32 s0, $0x1F;
	s12 =	sshra.s32 s17, $0x6;
	v28 =	vsel vm1, s9, v28;
	v26 =	vsel vm7, s28, v26;
	v24 =	vsel vm6, s11, v24  }
0x8c: {  	v45 =	vld [tilespmem:$0x1FFF0];
	s17 =	sshra.s32 s18, $0x6;
	s18 =	sshra.s32 s21, $0x6;
	s19 =	sshra.s32 s3, $0x6;
	v27 =	vsel vm8, s12, v27;
	v28 =	vsel vm8, s16, v28;
	v24 =	vsel vm15, s0, v24  }
0x8d: {  	s20 =	sshrl.u32 s22, $0x1F;
	s21 =	sshra.s32 s3, $0x1F;
	v27 =	vsel vm0, s17, v27;
	v28 =	vsel vm0, s18, v28;
	v24 =	vsel vm7, s19, v24  }
0x8e: {  	s23 =	sshra.s32 s22, $0x6;
	v26 =	vsel vm3, s20, v26;
	v27 =	vcombine.low v28, v27;
	v24 =	vsel vm9, s21, v24  }
0x8f: {  	v25 =	vperm.xlane v25, v6;
	v26 =	vperm.xlane v26, v7;
	v24 =	vsel vm3, s23, v24  }
0x90: {  	v27 =	vperm.xlane v27, v6;
	v24 =	vperm.xlane v24, v7  }
0x91: {  	vm2 =	vnez.u8 v45  }
0x92: {  	v25 =	vsel vm2, v26, v25;
	v24 =	vsel vm2, v24, v27  }
0x93: {  	v24 =	vadd.s32 v25, v24  }
0x94: {  	v24 =	vmul.u32 $0xC4, v24;
	_ =	sdelay $0x1  }
0x95: {  	v23 =	vsub.s32 v40, v24  }
0x96: {  	v24 =	vshll.u32 v23, $0x10  }
0x97: {  	v24 =	vshra.s32 v24, $0x10  }
0x98: {  	(v2sf) =	vpush v24, $0x0  }
0x99: {  	(v2sf) =	vpush v24, $0xF;
	_ =	sdelay $0x1  }
0x9a: {  	(v2sf) =	vpush v24, $0x1;
	_ =	sdelay $0x2  }
0x9b: {  	(v2sf) =	vpush v24, $0x2;
	_ =	sdelay $0x2  }
0x9c: {  	(v2sf) =	vpush v24, $0x3  }
0x9d: {  	(v2sf) =	vpush v24, $0x4  }
0x9e: {  	(v2sf) =	vpush v24, $0x5;
	_ =	sdelay $0x3  }
0x9f: {  	s24 =	spop (v2sf);
	(v2sf) =	vpush v24, $0x6  }
0xa0: {  	s25 =	sshra.s32 s24, $0x1F;
	s26 =	spop (v2sf);
	(v2sf) =	vpush v24, $0x7  }
0xa1: {  	s0 =	sxor.u32 s25, s24;
	s28 =	sshra.s32 s26, $0x1F  }
0xa2: {  	s30 =	spop (v2sf);
	(v2sf) =	vpush v24, $0x8;
	s0 =	ssub.s32 s0, s25;
	s3 =	sxor.u32 s28, s26  }
0xa3: {  	(drf) =	srem.u32 s0, $0xE;
	s29 =	ssub.s32 s3, s28  }
0xa4: {  	s31 =	sshra.s32 s30, $0x1F;
	(drf) =	srem.u32 s29, $0xE  }
0xa5: {  	s6 =	spop (v2sf);
	(v2sf) =	vpush v24, $0x9;
	s3 =	sxor.u32 s31, s30  }
0xa6: {  	s8 =	sshra.s32 s6, $0x1F;
	s3 =	ssub.s32 s3, s31  }
0xa7: {  	s5 =	sxor.u32 s8, s6;
	(drf) =	srem.u32 s3, $0xE  }
0xa8: {  	s11 =	spop (v2sf);
	s9 =	ssub.s32 s5, s8  }
0xa9: {  	s12 =	spop (v2sf);
	s5 =	sshra.s32 s11, $0x1F;
	(drf) =	srem.u32 s9, $0xE  }
0xaa: {  	s18 =	spop (v2sf);
	(v2sf) =	vpush v24, $0xA;
	s3 =	sxor.u32 s5, s11  }
0xab: {  	s3 =	ssub.s32 s3, s5  }
0xac: {  	(drf) =	srem.u32 s3, $0xE;
	s16 =	spop (drf)  }
0xad: {  	s17 =	spop (drf)  }
0xae: {  	s19 =	sshra.s32 s18, $0x1F;
	s20 =	spop (v2sf);
	(v2sf) =	vpush v24, $0xB  }
0xaf: {  	s3 =	sxor.u32 s19, s18;
	s23 =	spop (v2sf);
	(v2sf) =	vpush v24, $0xC  }
0xb0: {  	s3 =	ssub.s32 s3, s19;
	s21 =	spop (drf)  }
0xb1: {  	s9 =	sxor.u32 s25, s16;
	s11 =	sxor.u32 s28, s17;
	s24 =	spop (v2sf);
	(v2sf) =	vpush v24, $0xD  }
0xb2: {  	s1 =	ssub.s32 s9, s25;
	s22 =	spop (drf);
	s4 =	ssub.s32 s11, s28;
	(v2sf) =	vpush v24, $0xE  }
0xb3: {  	s25 =	sxor.u32 s31, s21;
	s11 =	sshra.s32 s12, $0x1F;
	s26 =	sxor.u32 s8, s22  }
0xb4: {  	s0 =	ssub.s32 s25, s31;
	s28 =	spop (v2sf);
	s6 =	ssub.s32 s26, s8  }
0xb5: {  	s29 =	spop (drf);
	s8 =	sxor.u32 s11, s12;
	s12 =	sshra.s32 s23, $0x1F  }
0xb6: {  	s16 =	sxor.u32 s5, s29;
	s8 =	ssub.s32 s8, s11;
	s18 =	sxor.u32 s12, s23  }
0xb7: {  	(drf) =	srem.u32 s8, $0xE;
	s8 =	sshra.s32 s20, $0x1F;
	s31 =	ssub.s32 s18, s12  }
0xb8: {  	s5 =	ssub.s32 s16, s5;
	(drf) =	srem.u32 s3, $0xE;
	s30 =	sxor.u32 s8, s20  }
0xb9: {  	s20 =	sshra.s32 s24, $0x1F;
	s21 =	spop (v2sf);
	s3 =	ssub.s32 s30, s8  }
0xba: {  	s9 =	sxor.u32 s20, s24;
	s17 =	sshra.s32 s21, $0x1F;
	(drf) =	srem.u32 s3, $0xE  }
0xbb: {  	s18 =	ssub.s32 s9, s20;
	s3 =	sshra.s32 s28, $0x1F;
	s9 =	sxor.u32 s17, s21  }
0xbc: {  	(drf) =	srem.u32 s31, $0xE;
	s22 =	sxor.u32 s3, s28;
	s9 =	ssub.s32 s9, s17  }
0xbd: {  	(drf) =	srem.u32 s18, $0xE;
	s16 =	ssub.s32 s22, s3;
	s23 =	spop (v2sf)  }
0xbe: {  	(drf) =	srem.u32 s16, $0xE;
	s21 =	sshra.s32 s23, $0x1F;
	s26 =	spop (v2sf)  }
0xbf: {  	(drf) =	srem.u32 s9, $0xE;
	s24 =	sxor.u32 s21, s23;
	s9 =	sshra.s32 s26, $0x1F  }
0xc0: {  	s28 =	spop (v2sf);
	s25 =	ssub.s32 s24, s21;
	s16 =	sxor.u32 s9, s26  }
0xc1: {  	v22 =	vmul.u32 $0x1E, v39;
	s22 =	sshra.s32 s28, $0x1F;
	s29 =	spop (v2sf);
	(drf) =	srem.u32 s25, $0xE  }
0xc2: {  	v46 =	vmov s4;
	s30 =	ssub.s32 s16, s9;
	s31 =	sxor.u32 s22, s28;
	s18 =	sshra.s32 s29, $0x1F  }
0xc3: {  	v29 =	vadd.s32 $0x2, v22;
	v24 =	vsel vm12, s1, v46;
	(drf) =	srem.u32 s30, $0xE;
	s24 =	ssub.s32 s31, s22;
	s25 =	sxor.u32 s18, s29  }
0xc4: {  	v30 =	vadd.s32 $0x3, v22;
	v24 =	vsel vm10, s0, v24;
	s26 =	spop (drf);
	(drf) =	srem.u32 s24, $0xE;
	s28 =	ssub.s32 s25, s18  }
0xc5: {  	v47 =	vor.u32 $0x1, v22;
	v24 =	vsel vm1, s6, v24;
	s0 =	sxor.u32 s11, s26;
	s29 =	spop (drf);
	(drf) =	srem.u32 s28, $0xE  }
0xc6: {  	v24 =	vsel vm11, s5, v24;
	s0 =	ssub.s32 s0, s11;
	s30 =	spop (drf);
	s4 =	sxor.u32 s19, s29  }
0xc7: {  	v24 =	vsel vm8, s0, v24;
	s31 =	spop (drf);
	s4 =	ssub.s32 s4, s19;
	s1 =	sxor.u32 s8, s30  }
0xc8: {  	v36 =	vld.idx.msk [tilespmem:v29+s2+$0x0], $0xffff;
	s6 =	spop (drf);
	v24 =	vsel vm4, s4, v24;
	s8 =	ssub.s32 s1, s8;
	s11 =	sxor.u32 s12, s31  }
0xc9: {  	v51 =	vadd.s32 $0x5, v22;
	v38 =	vld.idx.msk [tilespmem:v30+s2+$0x0], $0xffff;
	s16 =	spop (drf);
	v24 =	vsel vm0, s8, v24;
	s19 =	ssub.s32 s11, s12;
	s23 =	sxor.u32 s20, s6  }
0xca: {  	v28 =	vld.idx.msk [tilespmem:v47+s2+$0x0], $0xffff;
	v40 =	vadd.s32 $0x7, v22;
	s24 =	spop (drf);
	v24 =	vsel vm13, s19, v24;
	s25 =	ssub.s32 s23, s20;
	s26 =	sxor.u32 s3, s16  }
0xcb: {  	v26 =	vld.idx.msk [tilespmem:v47+s7+$0x0], $0xffff;
	v24 =	vsel vm5, s25, v24;
	s29 =	ssub.s32 s26, s3;
	s30 =	sxor.u32 s17, s24;
	s28 =	spop (drf)  }
0xcc: {  	v27 =	vld.idx.msk [tilespmem:v22+s2+$0x0], $0xffff;
	v24 =	vsel vm14, s29, v24;
	s1 =	ssub.s32 s30, s17;
	s31 =	spop (drf);
	s4 =	sxor.u32 s21, s28  }
0xcd: {  	v25 =	vld.idx.msk [tilespmem:v29+s7+$0x0], $0xffff;
	v24 =	vsel vm6, s1, v24;
	s5 =	spop (drf);
	s6 =	ssub.s32 s4, s21;
	s8 =	sxor.u32 s9, s31  }
0xce: {  	v29 =	vld.idx.msk [tilespmem:v51+s2+$0x0], $0xffff;
	v24 =	vsel vm15, s6, v24;
	s9 =	ssub.s32 s8, s9;
	s11 =	sxor.u32 s22, s5;
	s12 =	spop (drf)  }
0xcf: {  	v52 =	vadd.s32 $0x6, v22;
	v40 =	vld.idx.msk [tilespmem:v40+s2+$0x0], $0xffff;
	v24 =	vsel vm7, s9, v24;
	s16 =	ssub.s32 s11, s22;
	s17 =	sxor.u32 s18, s12  }
0xd0: {  	v54 =	vadd.s32 $0x8, v22;
	v45 =	vmul.f32 $5.000000000e-01, v38;
	v48 =	vsel vm9, s16, v24;
	s19 =	ssub.s32 s17, s18;
	v24 =	vld.idx.msk [tilespmem:v22+s7+$0x0], $0xffff  }
0xd1: {  	v43 =	vmul.f32 $5.000000000e-01, v36;
	v44 =	vmul.f32 v28, v11;
	v49 =	vsel vm3, s19, v48  }
0xd2: {  	v35 =	vmul.f32 v26, v11;
	v42 =	vmul.f32 v27, v11;
	v23 =	vsub.s32 v23, v49  }
0xd3: {  	v56 =	vsub.f32 v44, v45;
	v58 =	vmul.f32 v29, v11;
	v31 =	vcvt.s32.f32 v23;
	v23 =	vld.idx.msk [tilespmem:v30+s7+$0x0], $0xffff  }
0xd4: {  	v44 =	vadd.f32 v45, v44;
	v51 =	vmul.f32 $5.000000000e-01, v40;
	v32 =	vcvt.s32.f32 v49  }
0xd5: {  	v34 =	vmul.f32 $5.000000000e-01, v25;
	v55 =	vsub.f32 v42, v43;
	v33 =	vmul.f32 v24, v11  }
0xd6: {  	v42 =	vadd.f32 v43, v42;
	v60 =	vsub.f32 v58, v51;
	v32 =	vmul.f32 v32, v11  }
0xd7: {  	v31 =	vmul.f32 v31, v11;
	v50 =	vsub.f32 v33, v34;
	v33 =	vadd.f32 v34, v33  }
0xd8: {  	v42 =	vadd.f32 v42, v32;
	v34 =	vadd.f32 v55, v32;
	v37 =	vmul.f32 $5.000000000e-01, v23  }
0xd9: {  	v30 =	vld.idx.msk [tilespmem:v52+s2+$0x0], $0xffff;
	v31 =	vmul.f32 v31, v11;
	v39 =	vadd.f32 v32, v50;
	v33 =	vadd.f32 v32, v33  }
0xda: {  	v53 =	vsub.f32 v35, v37;
	v35 =	vadd.f32 v37, v35;
	v37 =	vld.idx.msk [tilespmem:v54+s2+$0x0], $0xffff  }
0xdb: {  	v43 =	vadd.f32 v56, v31;
	v44 =	vadd.f32 v44, v31;
	v47 =	vmax.f32 v39, v34  }
0xdc: {  	v49 =	vmin.f32 v33, v42;
	v34 =	vsub.f32 v42, v34;
	v42 =	vadd.f32 v60, v32  }
0xdd: {  	v41 =	vadd.f32 v31, v53;
	v35 =	vadd.f32 v31, v35  }
0xde: {  	v59 =	vmul.f32 v30, v11;
	v47 =	vsub.f32 v49, v47;
	v49 =	vadd.f32 v51, v58  }
0xdf: {  	v57 =	vsub.f32 v33, v39;
	v39 =	vmax.f32 v39, v42;
	v52 =	vmul.f32 $5.000000000e-01, v37  }
0xe0: {  	v46 =	vsub.f32 v35, v41;
	v48 =	vmax.f32 v41, v43;
	v32 =	vadd.f32 v49, v32  }
0xe1: {  	v50 =	vmin.f32 v35, v44;
	v61 =	vsub.f32 v59, v52;
	v62 =	vadd.f32 v52, v59  }
0xe2: {  	v47 =	vmax.f32 v47, $0.0e+00;
	v43 =	vsub.f32 v44, v43;
	v48 =	vsub.f32 v50, v48  }
0xe3: {  	v45 =	vmul.f32 v46, v57;
	v63 =	vadd.f32 v61, v31;
	v31 =	vadd.f32 v62, v31  }
0xe4: {  	v33 =	vmin.f32 v33, v32;
	v32 =	vsub.f32 v32, v42;
	v34 =	vmul.f32 v43, v34  }
0xe5: {  	v41 =	vmax.f32 v41, v63;
	v35 =	vmin.f32 v35, v31;
	v31 =	vsub.f32 v31, v63  }
0xe6: {  	v48 =	vmax.f32 v48, $0.0e+00;
	v33 =	vsub.f32 v33, v39;
	v35 =	vsub.f32 v35, v41  }
0xe7: {  	v42 =	vmul.f32 v48, v47;
	v31 =	vmul.f32 v31, v32  }
0xe8: {  	v43 =	vadd.f32 v34, v45;
	v33 =	vmax.f32 v33, $0.0e+00;
	v44 =	vmax.f32 v35, $0.0e+00  }
0xe9: {  	v33 =	vmul.f32 v44, v33;
	v31 =	vadd.f32 v31, v45  }
0xea: {  	v32 =	vsub.f32 v43, v42  }
0xeb: {  	v31 =	vsub.f32 v31, v33  }
0xec: {  	v46 =	vshra.s32 v25, $0x1;
	(erf) = vrcp.f32 v32  }
0xed: {  	v47 =	vadd.s32 $0x1FBD1DF5, v46;
	(erf) = vrcp.f32 v31  }
0xee: {  	(erf) = vrcp.f32 v47;
	_ =	sdelay $0x6  }
0xef: {  	v48 =	vpop (erf)  }
0xf0: {  	v49 =	vpop (erf)  }
0xf1: {  	v50 =	vpop (erf)  }
0xf2: {  	v35 =	vmul.f32 v50, v25;
	_ =	sdelay $0x1  }
0xf3: {  	v31 =	vadd.f32 v47, v35;
	_ =	sdelay $0x1  }
0xf4: {  	v31 =	vmul.f32 $5.000000000e-01, v31;
	_ =	sdelay $0x1  }
0xf5: {  	(erf) = vrcp.f32 v31;
	_ =	sdelay $0x8  }
0xf6: {  	v51 =	vpop (erf)  }
0xf7: {  	v35 =	vmul.f32 v51, v25  }
0xf8: {  	v32 =	vmul.f32 v48, v42;
	v33 =	vmul.f32 v49, v33  }
0xf9: {  	v31 =	vadd.f32 v35, v31  }
0xfa: {  	vm13 =	vgt.f32 v33, v32  }
0xfb: {  	v34 =	vsel vm13, v40, v36;
	v35 =	vmul.f32 $5.000000000e-01, v31  }
0xfc: {  	v52 =	vshra.s32 v34, $0x1  }
0xfd: {  	v31 =	vadd.s32 $0x1FBD1DF5, v52;
	(erf) = vrcp.f32 v35  }
0xfe: {  	(erf) = vrcp.f32 v31;
	_ =	sdelay $0x7  }
0xff: {  	v36 =	vpop (erf)  }
0x100: {  	v53 =	vpop (erf)  }
0x101: {  	v39 =	vmul.f32 v53, v34;
	_ =	sdelay $0x1  }
0x102: {  	v31 =	vadd.f32 v31, v39;
	_ =	sdelay $0x1  }
0x103: {  	v31 =	vmul.f32 $5.000000000e-01, v31;
	_ =	sdelay $0x1  }
0x104: {  	(erf) = vrcp.f32 v31;
	_ =	sdelay $0x8  }
0x105: {  	v54 =	vpop (erf)  }
0x106: {  	v39 =	vmul.f32 v54, v34;
	_ =	sdelay $0x1  }
0x107: {  	v31 =	vadd.f32 v39, v31;
	_ =	sdelay $0x1  }
0x108: {  	v39 =	vmul.f32 $5.000000000e-01, v31  }
0x109: {  	v55 =	vshra.s32 v23, $0x1  }
0x10a: {  	v31 =	vadd.s32 $0x1FBD1DF5, v55;
	(erf) = vrcp.f32 v39  }
0x10b: {  	(erf) = vrcp.f32 v31;
	_ =	sdelay $0x7  }
0x10c: {  	v40 =	vpop (erf)  }
0x10d: {  	v56 =	vpop (erf)  }
0x10e: {  	v41 =	vmul.f32 v56, v23;
	_ =	sdelay $0x1  }
0x10f: {  	v31 =	vadd.f32 v31, v41;
	_ =	sdelay $0x1  }
0x110: {  	v31 =	vmul.f32 $5.000000000e-01, v31;
	_ =	sdelay $0x1  }
0x111: {  	(erf) = vrcp.f32 v31;
	_ =	sdelay $0x8  }
0x112: {  	v57 =	vpop (erf)  }
0x113: {  	v41 =	vmul.f32 v57, v23;
	_ =	sdelay $0x1  }
0x114: {  	v31 =	vadd.f32 v41, v31;
	_ =	sdelay $0x1  }
0x115: {  	v37 =	vsel vm13, v37, v38;
	v31 =	vmul.f32 $5.000000000e-01, v31  }
0x116: {  	v38 =	vshra.s32 v37, $0x1  }
0x117: {  	v38 =	vadd.s32 $0x1FBD1DF5, v38;
	(erf) = vrcp.f32 v31  }
0x118: {  	v59 =	vadd.s32 $0xA, v22;
	(erf) = vrcp.f32 v38  }
0x119: {  	v62 =	vadd.s32 $0x9, v22  }
0x11a: {  	v61 =	vadd.s32 $0xB, v22  }
0x11b: {  	v58 =	vadd.s32 $0x4, v22;
	_ =	sdelay $0x1  }
0x11c: {  	v63 =	vld.idx.msk [tilespmem:v59+s7+$0x0], $0xffff;
	v56 =	vadd.s32 $0xC, v22  }
0x11d: {  	v46 =	vld.idx.msk [tilespmem:v62+s2+$0x0], $0xffff  }
0x11e: {  	v45 =	vld.idx.msk [tilespmem:v61+s2+$0x0], $0xffff  }
0x11f: {  	v41 =	vld.idx.msk [tilespmem:v58+s2+$0x0], $0xffff;
	v58 =	vadd.s32 $0xD, v22;
	v43 =	vpop (erf)  }
0x120: {  	v42 =	vld.idx.msk [tilespmem:v59+s2+$0x0], $0xffff;
	v60 =	vpop (erf)  }
0x121: {  	v59 =	vld.idx.msk [tilespmem:v56+s7+$0x0], $0xffff;
	v44 =	vmul.f32 v60, v37  }
0x122: {  	v57 =	vld.idx.msk [tilespmem:v61+s7+$0x0], $0xffff  }
0x123: {  	v53 =	vadd.s32 $0xF, v22;
	v47 =	vld.idx.msk [tilespmem:v56+s2+$0x0], $0xffff;
	v38 =	vadd.f32 v38, v44  }
0x124: {  	v61 =	vld.idx.msk [tilespmem:v58+s7+$0x0], $0xffff;
	v60 =	vadd.s32 $0xE, v22  }
0x125: {  	v42 =	vsub.f32 v63, v42;
	v63 =	vld.idx.msk [tilespmem:v58+s2+$0x0], $0xffff;
	v38 =	vmul.f32 $5.000000000e-01, v38  }
0x126: {  	v21 =	vmul.f32 v21, v21;
	v19 =	vmul.f32 v19, v19;
	v48 =	vsel vm13, v29, v27  }
0x127: {  	v52 =	vld [tilespmem:$0x1FFE0];
	v54 =	vadd.s32 $0x10, v22;
	v62 =	vsub.f32 v57, v45;
	(erf) = vrcp.f32 v38  }
0x128: {  	v30 =	vsel vm13, v30, v28;
	v42 =	vmul.f32 v42, v42;
	v29 =	vsel vm13, v33, v32;
	v33 =	vld.idx.msk [tilespmem:v53+s7+$0x0], $0xffff  }
0x129: {  	v50 =	vsub.f32 v59, v47;
	v28 =	vsel vm13, v46, v41;
	v44 =	vmul.f32 v62, v62;
	v49 =	vld.idx.msk [tilespmem:v60+s7+$0x0], $0xffff  }
0x12a: {  	v27 =	vsel vm13, v41, v46;
	v57 =	vsub.f32 v61, v63;
	v63 =	vadd.s32 $0x12, v22;
	v55 =	vld.idx.msk [tilespmem:v60+s2+$0x0], $0xffff  }
0x12b: {  	v59 =	vld.idx.msk [tilespmem:v53+s2+$0x0], $0xffff;
	v41 =	vmul.f32 v50, v50;
	v56 =	vadd.f32 v44, v42;
	v42 =	vadd.s32 $0x11, v22  }
0x12c: {  	v19 =	vadd.f32 v19, v21;
	v18 =	vmul.f32 v18, v18;
	v17 =	vmul.f32 v17, v17;
	v62 =	vld.idx.msk [tilespmem:v54+s7+$0x0], $0xffff  }
0x12d: {  	v61 =	vmul.f32 v57, v57;
	v54 =	vld.idx.msk [tilespmem:v54+s2+$0x0], $0xffff;
	v32 =	vadd.f32 v41, v56;
	v56 =	vadd.s32 $0x13, v22  }
0x12e: {  	v16 =	vmul.f32 v19, v16;
	v17 =	vadd.f32 v17, v18;
	v24 =	vsub.f32 v24, v48  }
0x12f: {  	v45 =	vld.idx.msk [tilespmem:v63+s2+$0x0], $0xffff;
	v32 =	vadd.f32 v61, v32;
	v61 =	vadd.s32 $0x15, v22;
	v53 =	vsub.f32 v49, v55  }
0x130: {  	vm0 =	vnez.u8 v52;
	v33 =	vsub.f32 v33, v59;
	vm13 =	veq.f32 v20, $0.0e+00;
	v55 =	vld.idx.msk [tilespmem:v42+s7+$0x0], $0xffff;
	v58 =	vpop (erf)  }
0x131: {  	v42 =	vld.idx.msk [tilespmem:v42+s2+$0x0], $0xffff;
	v21 =	vmul.f32 v53, v53;
	v60 =	vmul.f32 v58, v37;
	v58 =	vadd.s32 $0x14, v22  }
0x132: {  	s20 =	sadd.s32 s14, s15;
	v59 =	vmul.f32 v33, v33;
	vm12 =	vmand vm0, vm13;
	v44 =	vsub.f32 v62, v54;
	v41 =	vld.idx.msk [tilespmem:v56+s2+$0x0], $0xffff  }
0x133: {  	v57 =	vmov s20;
	v21 =	vadd.f32 v21, v32;
	v20 =	vadd.f32 v60, v38;
	v60 =	vld.idx.msk [tilespmem:v63+s7+$0x0], $0xffff  }
0x134: {  	v52 =	vadd.s32 $0x16, v22;
	v47 =	vsel vm12, $0x3F800000, v5;
	vm12 =	vgt.s32 v57, v0;
	v57 =	vld.idx.msk [tilespmem:v61+s7+$0x0], $0xffff  }
0x135: {  	v26 =	vsub.f32 v26, v30;
	v51 =	vmul.f32 v44, v44;
	v62 =	vadd.f32 v59, v21;
	v63 =	vld.idx.msk [tilespmem:v56+s7+$0x0], $0xffff  }
0x136: {  	v38 =	vsub.f32 v55, v42;
	v56 =	vadd.s32 $0x17, v22;
	v20 =	vmul.f32 $5.000000000e-01, v20;
	v53 =	vld.idx.msk [tilespmem:v58+s7+$0x0], $0xffff  }
0x137: {  	v24 =	vmul.f32 v24, v24;
	v59 =	vadd.s32 $0x18, v22;
	v19 =	vadd.f32 v51, v62;
	v55 =	vld.idx.msk [tilespmem:v58+s2+$0x0], $0xffff  }
0x138: {  	v54 =	vmul.f32 v38, v38;
	v58 =	vld.idx.msk [tilespmem:v61+s2+$0x0], $0xffff;
	(erf) = vrcp.f32 v20;
	v33 =	vsub.f32 v60, v45  }
0x139: {  	v25 =	vmul.f32 v36, v25;
	v34 =	vmul.f32 v40, v34;
	v62 =	vadd.s32 $0x19, v22;
	v61 =	vld.idx.msk [tilespmem:v52+s2+$0x0], $0xffff  }
0x13a: {  	v19 =	vadd.f32 v54, v19;
	v21 =	vsub.f32 v63, v41;
	v60 =	vld.idx.msk [tilespmem:v52+s7+$0x0], $0xffff;
	v33 =	vmul.f32 v33, v33  }
0x13b: {  	v25 =	vadd.f32 v25, v35;
	v34 =	vadd.f32 v34, v39;
	v63 =	vld.idx.msk [tilespmem:v56+s7+$0x0], $0xffff;
	v45 =	vadd.s32 $0x1A, v22  }
0x13c: {  	v44 =	vld.idx.msk [tilespmem:v56+s2+$0x0], $0xffff;
	v21 =	vmul.f32 v21, v21;
	v30 =	vsub.f32 v53, v55;
	v19 =	vadd.f32 v33, v19  }
0x13d: {  	v25 =	vmul.f32 $5.000000000e-01, v25;
	v34 =	vmul.f32 $5.000000000e-01, v34;
	v51 =	vadd.s32 $0x1B, v22;
	v48 =	vld.idx.msk [tilespmem:v59+s7+$0x0], $0xffff  }
0x13e: {  	v49 =	vld.idx.msk [tilespmem:v59+s2+$0x0], $0xffff;
	v32 =	vsub.f32 v57, v58;
	v30 =	vmul.f32 v30, v30;
	v19 =	vadd.f32 v21, v19  }
0x13f: {  	v26 =	vmul.f32 v26, v26;
	v25 =	vsub.f32 v25, v34;
	v54 =	vld.idx.msk [tilespmem:v62+s7+$0x0], $0xffff;
	v56 =	vadd.s32 $0x1C, v22  }
0x140: {  	v55 =	vld.idx.msk [tilespmem:v62+s2+$0x0], $0xffff;
	v52 =	vmul.f32 v32, v32;
	v53 =	vsub.f32 v60, v61;
	v19 =	vadd.f32 v30, v19  }
0x141: {  	v40 =	vmul.f32 v25, v25;
	v23 =	vmul.f32 v43, v23;
	v58 =	vsub.f32 v63, v44;
	v59 =	vld.idx.msk [tilespmem:v45+s7+$0x0], $0xffff;
	v46 =	vpop (erf)  }
0x142: {  	v60 =	vld.idx.msk [tilespmem:v45+s2+$0x0], $0xffff;
	v57 =	vmul.f32 v53, v53;
	v21 =	vmul.f32 v46, v37;
	v19 =	vadd.f32 v52, v19  }
0x143: {  	v23 =	vadd.f32 v23, v31;
	v22 =	vadd.s32 $0x1D, v22;
	v62 =	vsub.f32 v48, v49;
	v63 =	vld.idx.msk [tilespmem:v51+s7+$0x0], $0xffff  }
0x144: {  	v39 =	vld.idx.msk [tilespmem:v56+s7+$0x0], $0xffff;
	v61 =	vmul.f32 v58, v58;
	v20 =	vadd.f32 v21, v20;
	v19 =	vadd.f32 v57, v19  }
0x145: {  	v24 =	vadd.f32 v26, v24;
	v23 =	vmul.f32 $5.000000000e-01, v23;
	v38 =	vmul.f32 v62, v62;
	v37 =	vld.idx.msk [tilespmem:v51+s2+$0x0], $0xffff  }
0x146: {  	v41 =	vld.idx.msk [tilespmem:v56+s2+$0x0], $0xffff;
	v21 =	vsub.f32 v54, v55;
	v20 =	vmul.f32 $5.000000000e-01, v20;
	v19 =	vadd.f32 v61, v19  }
0x147: {  	v17 =	vmul.f32 v17, v47;
	v50 =	vsel vm12, $0x3F800000, v5;
	v42 =	vsub.f32 v59, v60  }
0x148: {  	v43 =	vld.idx.msk [tilespmem:v22+s7+$0x0], $0xffff;
	v21 =	vmul.f32 v21, v21;
	v20 =	vsub.f32 v23, v20;
	v19 =	vadd.f32 v38, v19  }
0x149: {  	v47 =	vmul.f32 v24, v50;
	v44 =	vld.idx.msk [tilespmem:v22+s2+$0x0], $0xffff;
	v45 =	vmul.f32 v42, v42  }
0x14a: {  	v46 =	vsub.f32 v63, v37;
	v20 =	vmul.f32 v20, v20;
	v19 =	vadd.f32 v21, v19  }
0x14b: {  	v48 =	vsub.f32 v29, v28;
	v53 =	vmul.f32 v27, v27;
	v51 =	vsub.f32 v39, v41  }
0x14c: {  	v49 =	vmul.f32 v46, v46;
	v18 =	vadd.f32 v20, v40;
	v19 =	vadd.f32 v45, v19  }
0x14d: {  	v15 =	vadd.f32 v16, v15;
	v52 =	vmul.f32 v48, v48;
	v54 =	vmul.f32 v51, v51  }
0x14e: {  	v20 =	vsub.f32 v43, v44;
	v18 =	vmul.f32 v18, v50;
	v19 =	vadd.f32 v49, v19  }
0x14f: {  	v15 =	vadd.f32 v17, v15;
	(xrf2) =	vadd.scan.msk.f32 $0xffff, v47;
	v55 =	vmul.f32 v53, v50  }
0x150: {  	v16 =	vmul.f32 v52, v50;
	v20 =	vmul.f32 v20, v20;
	(xrf2) =	vadd.scan.msk.f32 $0xffff, v18;
	v19 =	vadd.f32 v54, v19;
	_ =	sdelay $0x1  }
0x151: {  	v15 =	vadd.f32 v55, v15;
	(xrf2) =	vadd.scan.msk.f32 $0xffff, v16;
	v56 =	vadd.f32 v20, v19;
	_ =	sdelay $0x1  }
0x152: {  	(xrf2) =	vadd.scan.msk.f32 $0xffff, v15;
	v57 =	vmul.f32 v56, v50;
	_ =	sdelay $0x1  }
0x153: {  	(xrf2) =	vadd.scan.msk.f32 $0xffff, v57;
	_ =	sdelay $0x2  }
0x154: {  	v15, _, _ =	vpop (xrf2)  }
0x155: {  	(v2sf) =	vpush v15, $0xF;
	v58, _, _ =	vpop (xrf2)  }
0x156: {  	(v2sf) =	vpush v58, $0xF  }
0x157: {  	v15, _, _ =	vpop (xrf2)  }
0x158: {  	(v2sf) =	vpush v15, $0xF  }
0x159: {  	v15, _, _ =	vpop (xrf2)  }
0x15a: {  	(v2sf) =	vpush v15, $0xF  }
0x15b: {  	v15, _, _ =	vpop (xrf2)  }
0x15c: {  	(v2sf) =	vpush v15, $0xF;
	_ =	sdelay $0x7  }
0x15d: {  	s21 =	spop (v2sf)  }
0x15e: {  	s0 =	smul.f32 $7.812500000e-02, s21;
	s22 =	spop (v2sf)  }
0x15f: {  	s1 =	smul.f32 $7.812500000e-02, s22  }
0x160: {  	s23 =	spop (v2sf)  }
0x161: {  	s3 =	smul.f32 $1.562500000e-02, s23;
	s24 =	sadd.f32 s1, s0  }
0x162: {  	s25 =	spop (v2sf)  }
0x163: {  	s5 =	smul.f32 $7.812500000e-03, s25;
	s4 =	sadd.f32 s24, s3  }
0x164: {  	s26 =	spop (v2sf)  }
0x165: {  	s4 =	sadd.f32 s4, s5;
	s6 =	smul.f32 $1.562500000e-02, s26  }
0x166: {  	_ = 	snop  }
0x167: {  	s4 =	sadd.f32 s6, s4;
	_ =	sdelay $0x1  }
0x168: {  	v59 =	vmul.f32 s0, v9;
	v15 =	vmul.f32 s4, v8;
	_ =	sdelay $0x1  }
0x169: {  	v60 =	vmul.f32 s1, v10;
	v15 =	vadd.f32 v15, v59;
	_ =	sdelay $0x1  }
0x16a: {  	v61 =	vmul.f32 s3, v12;
	v15 =	vadd.f32 v15, v60;
	_ =	sdelay $0x1  }
0x16b: {  	v62 =	vmul.f32 s5, v13;
	v15 =	vadd.f32 v15, v61;
	_ =	sdelay $0x1  }
0x16c: {  	v63 =	vmul.f32 s6, v14;
	v15 =	vadd.f32 v15, v62;
	_ =	sdelay $0x1  }
0x16d: {  	v15 =	vadd.f32 v15, v63;
	_ =	sdelay $0x1  }
0x16e: {  	s29 =	simm.s32 $0x5C00;
	s30 =	simm.s32 $0x3;
	s28 =	rddreg [dreg:$0x4];
	[tilespmem:$0x5C00] =	vst v15  }
0x16f: {  	[hbm4b:s28+s2] =	stream.linear.scatter [tilespmem:s29], [sflag:$0x3], $0x80, $0x38;
	[tilespmem:$0x5D00] =	vst v63  }
0x170: {  	_ =	swait.ge [sflag:s30], $0x80  }
0x171: {  	s13 =	sadd.s32 $0x1, s13;
	s31 =	rddreg [dreg:$0x5]  }
0x172: {  	p0 =	sne.s32 s13, s31  }
.Ltmp1:
0x173: {  	_ = 	snop;
	(pc) =	sbr.rel @p0 .LBB2_1-.Ltmp1, $3  }
0x174: {  	_ =	sdelay $0x1  }
0x175: {  	[sflag:s30] =	ssyncset.done $0x0  }
0x176: {  	[sflag:s30] =	ssyncadd.s32 $0xFFFFFF80  }
0x177: {  	_ =	sfence.sel $0x180000  }
0x178: {  	[bflag:$0x0] =	sbarrier.arrive $0xFFFF  }
0x179: {  	_ =	strace $0x90000047  }
0x17a: {  	s0 =	stileid.u32;
	[bflag:$0x2] =	sbarrier.arrive $0xFFFF  }
0x17b: {  	p0 =	sne.s32 s0, $0x0;
	s0 =	rddreg [dreg:$0x1]  }
0x17c: {  	s0 =	sadd.s32 @!p0 $0x100000, s0  }
0x17d: {  	[sflag:s0] =	ssyncadd.tile.s32 @!p0 $0x1;
	_ =	shalt  }
.Lfunc_end2:
_tile_overlayer_lowered:
.L_overlay_start_2:
0x17e: {  	(tag) =	ssettag $0x2  }
0x17f: {  	s0 =	rddreg [dreg:$0x0];
	s2 =	stileid.u32  }
0x180: {  	s1 =	rddreg [dreg:$0x1];
	p0 =	sne.s32 s2, $0x0  }
0x181: {  	s3 =	rddreg [dreg:$0x2];
	[bflag:$0x3] =	sbarrier.arrive $0xFFFF;
	s2 =	simm.s32 @!p0 $0x1C03  }
0x182: {  	[timem:s3], [sflag:s2] =	dma.local @!p0 [hbm:s0], s1  }
0x183: {  	s0 =	simm.s32 @!p0 $0x3  }
0x184: {  	_ =	swait.ge @!p0 [sflag:s0], s1  }
0x185: {  	s1 =	ssub.s32 @!p0 $0x0, s1;
	[sflag:s0] =	ssyncset.done @!p0 $0x0  }
0x186: {  	[sflag:s0] =	ssyncadd.s32 @!p0 s1  }
0x187: {  	[bflag:$0x3] =	sbarrier.arrive $0xFFFF  }
0x188: {  	_ =	shalt  }

</sc_bundles>
